<compile_context>
chip_gen: v7x
topology: tpu7x:2x2x1
jax: 0.10.2.dev20260603
libtpu: 0.0.44.dev20260713+nightly
codegen_flags: <defaults>
</compile_context>

<pallas_src>
import functools

import jax
import jax.numpy as jnp
from jax import lax
from jax.experimental import pallas as pl
from jax.experimental.pallas import tpu as pltpu
from jax.experimental.pallas import tpu_sc as plsc

_NW = 32
_NS = 16
_L = 16
_BT = 128
_HT = 8
_VPAD = 65536
_CB = 16


@functools.partial(jax.jit, static_argnames=("nb", "nh", "vp"))
def _sc_gather(ids_phys, w_phys, nb, nh, vp):
    n_tiles = (nb // _BT) * (nh // _HT)
    per_w = n_tiles // _NW
    assert per_w % 2 == 0
    bt_tiles = nb // _BT
    row_elems = nb * 2
    tile_n = _BT * _HT

    n_blocks = vp // _BT
    chunks_per_s = n_blocks // _CB // _NS
    assert n_blocks % (_CB * _NS) == 0
    cf = _CB * 2 * _BT
    cl = _CB * _BT // 4

    mesh = plsc.VectorSubcoreMesh(core_axis_name="c", subcore_axis_name="s")

    scratch = []
    for _ in range(2):
        scratch.append(pltpu.VMEM((cf,), jnp.float32))
        scratch.append(pltpu.VMEM((cl, 8), jnp.float32))
        scratch.append(pltpu.SemaphoreType.DMA)
        scratch.append(pltpu.SemaphoreType.DMA)
    for _ in range(2):
        scratch.append(pltpu.VMEM((tile_n,), jnp.int32))
        scratch.append(pltpu.VMEM((tile_n,), jnp.int32))
        scratch.append(pltpu.VMEM((tile_n, 8), jnp.float32))
        scratch.append(pltpu.VMEM((_HT, 2 * _BT), jnp.float32))
        scratch.append(pltpu.SemaphoreType.DMA)
        scratch.append(pltpu.SemaphoreType.DMA)

    @functools.partial(
        pl.kernel,
        out_type=(
            jax.ShapeDtypeStruct((nh, row_elems), jnp.float32),
            jax.ShapeDtypeStruct((vp // 4, 8), jnp.float32),
        ),
        mesh=mesh,
        scratch_types=scratch,
        compiler_params=pltpu.CompilerParams(
            use_tc_tiling_on_sc=False, needs_layout_passes=False
        ),
    )
    def body(ids_hbm, tab_hbm, out_hbm, lines_hbm, *bufs):
        cid = lax.axis_index("c")
        sid = lax.axis_index("s")
        wid = sid * 2 + cid
        t_base = wid * per_w
        psets = tuple(tuple(bufs[4 * b : 4 * b + 4]) for b in range(2))
        gsets = tuple(tuple(bufs[8 + 6 * b : 8 + 6 * b + 6]) for b in range(2))
        iota = lax.iota(jnp.int32, _L)

        def p1_stage(ci, ib_v, isem):
            pltpu.async_copy(
                tab_hbm.at[pl.ds((sid * chunks_per_s + ci) * cf, cf)], ib_v, isem
            )

        def p1_work(ci, ib_v, pr_v, isem, wsem):
            pltpu.make_async_copy(
                tab_hbm.at[pl.ds((sid * chunks_per_s + ci) * cf, cf)], ib_v, isem
            ).wait()

            @plsc.parallel_loop(0, _CB * _BT // _L, unroll=4)
            def inter(g):
                blk = lax.shift_right_logical(g, 3)
                off = (g & 7) * _L
                src = blk * 2 * _BT + off
                x16 = ib_v[pl.ds(src, _L)]
                y16 = ib_v[pl.ds(src + _BT, _L)]
                p = blk * _BT + off + iota
                row = lax.shift_right_logical(p, 2)
                colx = lax.shift_left(p & 3, 1)
                plsc.store_scatter(pr_v, [row, colx], x16)
                plsc.store_scatter(pr_v, [row, colx + 1], y16)
            pltpu.async_copy(
                pr_v,
                lines_hbm.at[pl.ds((sid * chunks_per_s + ci) * cl, cl), :],
                wsem,
            )

        def p1_drain(ci, pr_v, wsem):
            pltpu.make_async_copy(
                pr_v,
                lines_hbm.at[pl.ds((sid * chunks_per_s + ci) * cl, cl), :],
                wsem,
            ).wait()

        for b in range(2):
            p1_stage(b, psets[b][0], psets[b][2])

        def p1_pair(k, carry):
            for b in range(2):
                ib_v, pr_v, isem, wsem = psets[b]
                ci = 2 * k + b

                @pl.when(ci >= 2)
                def _():
                    p1_drain(ci - 2, pr_v, wsem)

                p1_work(ci, ib_v, pr_v, isem, wsem)

                @pl.when(ci + 2 < chunks_per_s)
                def _():
                    p1_stage(ci + 2, ib_v, isem)

            return carry

        lax.fori_loop(0, chunks_per_s // 2, p1_pair, 0)
        for b in range(2):
            p1_drain(chunks_per_s - 2 + b, psets[b][1], psets[b][3])
        plsc.subcore_barrier()

        def stage_and_fire(t, idx_v, line_v, rows_v, sem):
            pltpu.sync_copy(ids_hbm.at[pl.ds(t * tile_n, tile_n)], idx_v)

            @plsc.parallel_loop(0, tile_n // _L, unroll=4)
            def lines(g):
                v = idx_v[pl.ds(g * _L, _L)]
                line_v[pl.ds(g * _L, _L)] = lax.shift_right_logical(v, 2)

            pltpu.async_copy(lines_hbm.at[line_v], rows_v, sem)

        def wb_dst(t):
            ht = t // bt_tiles
            bt = t - ht * bt_tiles
            return out_hbm.at[
                pl.ds(ht * _HT, _HT), pl.ds(bt * 2 * _BT, 2 * _BT)
            ]

        for b in range(2):
            idx_v, line_v, rows_v, comp_v, sem, wsem = gsets[b]
            stage_and_fire(t_base + b, idx_v, line_v, rows_v, sem)

        def pair(k, carry):
            for b in range(2):
                idx_v, line_v, rows_v, comp_v, sem, wsem = gsets[b]
                t = t_base + 2 * k + b
                pltpu.make_async_copy(lines_hbm.at[line_v], rows_v, sem).wait()

                @pl.when(2 * k + b >= 2)
                def _():
                    pltpu.make_async_copy(comp_v, wb_dst(t - 2), wsem).wait()

                for hh in range(_HT):

                    @plsc.parallel_loop(0, _BT // _L, unroll=4)
                    def extract(g, hh=hh):
                        p = hh * _BT + g * _L
                        v = idx_v[pl.ds(p, _L)]
                        col = lax.shift_left(v & 3, 1)
                        r16 = iota + p
                        x = plsc.load_gather(rows_v, [r16, col])
                        y = plsc.load_gather(rows_v, [r16, col + 1])
                        comp_v[hh, pl.ds(g * _L, _L)] = x
                        comp_v[hh, pl.ds(_BT + g * _L, _L)] = y

                @pl.when(2 * k + b + 2 < per_w)
                def _():
                    stage_and_fire(t + 2, idx_v, line_v, rows_v, sem)

                pltpu.async_copy(comp_v, wb_dst(t), wsem)
            return carry

        lax.fori_loop(0, per_w // 2, pair, 0)
        for b in range(2):
            idx_v, line_v, rows_v, comp_v, sem, wsem = gsets[b]
            pltpu.make_async_copy(comp_v, wb_dst(t_base + per_w - 2 + b), wsem).wait()

    return body(ids_phys, w_phys)


def kernel(token_ids, W):
    nb, nh = token_ids.shape
    bt_tiles = nb // _BT
    ht_tiles = nh // _HT
    ids_phys = (
        token_ids.astype(jnp.int32)
        .reshape(bt_tiles, _BT, ht_tiles, _HT)
        .transpose(2, 0, 3, 1)
        .reshape(nb * nh)
    )
    v = W.shape[0]
    vp = (v + _VPAD - 1) // _VPAD * _VPAD
    w_phys = (
        jnp.pad(W, ((0, vp - v), (0, 0)))
        .reshape(vp // _BT, _BT, 2)
        .transpose(0, 2, 1)
        .reshape(2 * vp)
    )
    out2d, _ = _sc_gather(ids_phys, w_phys, nb, nh, vp)
    return (
        out2d.reshape(nh, bt_tiles, 2, _BT)
        .transpose(1, 3, 0, 2)
        .reshape(nb, nh, 2)
    )

# --- scband reference (transcript-rebuilt; emitter-appended) ---
"""Pipeline reference for scband-quantum-token-representation-14963666059654 (READ-ONLY COPY).

The authoritative reference and input builder live on the scoring server;
editing this copy changes nothing except your own understanding.
"""

import jax, jax.numpy as jnp
import numpy as np
import math

VOCAB = 1000000
R_MIN = 0.5
R_MAX = 2.0
BATCH = 16384
HIST = 200


def _init_table(key):
    thetas = jax.random.uniform(key, (VOCAB,), dtype=jnp.float32) * 2.0 * math.pi
    vocab_positions = jnp.arange(VOCAB, dtype=jnp.float32)
    normalized_positions = vocab_positions / VOCAB
    radii = R_MIN + (R_MAX - R_MIN) * (1.0 - normalized_positions)
    W = jnp.stack([radii * jnp.cos(thetas), radii * jnp.sin(thetas)], axis=1)
    return W.astype(jnp.float32)


def setup_inputs(seed: int = 0) -> dict:
    key = jax.random.key(seed)
    k_idx, k_theta = jax.random.split(key)
    token_ids = jax.random.randint(k_idx, (BATCH, HIST), 0, VOCAB, dtype=jnp.int64 if jax.config.jax_enable_x64 else jnp.int32)
    W = _init_table(k_theta)
    return {"token_ids": token_ids, "W": W}


def reference(token_ids, W):
    # nn.Embedding lookup: gather rows of the [vocab, 2] quantum-state table
    return jnp.take(W, token_ids, axis=0)

if __name__ == "__main__":
    import jax
    _d = setup_inputs()
    print(jax.jit(kernel)(*tuple(_d.values())))

</pallas_src>

<mosaic_0001>
#map = affine_map<(d0, d1) -> (0)>
#map1 = affine_map<(d0, d1) -> (0, 0)>
module attributes {stable_mosaic.version = 14 : i64} {
  func.func @body(%arg0: i32, %arg1: i32, %arg2: memref<3276800xi32, #tpu.memory_space<hbm>>, %arg3: memref<2097152xf32, #tpu.memory_space<hbm>>, %arg4: memref<200x32768xf32, #tpu.memory_space<hbm>>, %arg5: memref<262144x8xf32, #tpu.memory_space<hbm>>, %arg6: memref<4096xf32, #tpu.memory_space<vmem>>, %arg7: memref<512x8xf32, #tpu.memory_space<vmem>>, %arg8: memref<!tpu.dma_semaphore, #tpu.memory_space<semaphore_mem>>, %arg9: memref<!tpu.dma_semaphore, #tpu.memory_space<semaphore_mem>>, %arg10: memref<4096xf32, #tpu.memory_space<vmem>>, %arg11: memref<512x8xf32, #tpu.memory_space<vmem>>, %arg12: memref<!tpu.dma_semaphore, #tpu.memory_space<semaphore_mem>>, %arg13: memref<!tpu.dma_semaphore, #tpu.memory_space<semaphore_mem>>, %arg14: memref<1024xi32, #tpu.memory_space<vmem>>, %arg15: memref<1024xi32, #tpu.memory_space<vmem>>, %arg16: memref<1024x8xf32, #tpu.memory_space<vmem>>, %arg17: memref<8x256xf32, #tpu.memory_space<vmem>>, %arg18: memref<!tpu.dma_semaphore, #tpu.memory_space<semaphore_mem>>, %arg19: memref<!tpu.dma_semaphore, #tpu.memory_space<semaphore_mem>>, %arg20: memref<1024xi32, #tpu.memory_space<vmem>>, %arg21: memref<1024xi32, #tpu.memory_space<vmem>>, %arg22: memref<1024x8xf32, #tpu.memory_space<vmem>>, %arg23: memref<8x256xf32, #tpu.memory_space<vmem>>, %arg24: memref<!tpu.dma_semaphore, #tpu.memory_space<semaphore_mem>>, %arg25: memref<!tpu.dma_semaphore, #tpu.memory_space<semaphore_mem>>) attributes {dimension_semantics = [#tpu.dimension_semantics<core_parallel>, #tpu.dimension_semantics<subcore_parallel>], iteration_bounds = array<i64: 2, 16>, scalar_prefetch = 0 : i64, scratch_operands = 20 : i64, tpu.core_type = #tpu.core_type<sc_vector_subcore>, window_params = [{transform_indices = #map}, {transform_indices = #map}, {transform_indices = #map1}, {transform_indices = #map1}]} {
    %mul3A = arith.constant 2 : i32
    %mul3A_0 = arith.muli %arg1, %mul3A : i32
    %add3A = arith.addi %mul3A_0, %arg0 : i32
    %mul3A_1 = arith.constant 100 : i32
    %mul3A_2 = arith.muli %add3A, %mul3A_1 : i32
    %iota3A = tpu.iota {dimensions = array<i32: 0>} : vector<16xi32>
    %mul3A_3 = arith.constant 32 : i32
    %mul3A_4 = arith.muli %arg1, %mul3A_3 : i32
    %add3A_5 = arith.constant 0 : i32
    %add3A_6 = arith.addi %mul3A_4, %add3A_5 : i32
    %mul3A_7 = arith.constant 4096 : i32
    %mul3A_8 = arith.muli %add3A_6, %mul3A_7 : i32
    %dma_start3A = tpu.memref_slice %arg3[%mul3A_8] : memref<2097152xf32, #tpu.memory_space<hbm>> -> memref<4096xf32, #tpu.memory_space<hbm>>
    %dma_start3A_9 = tpu.memref_slice %arg3[%mul3A_8] : memref<2097152xf32, #tpu.memory_space<hbm>> -> memref<4096xf32, #tpu.memory_space<hbm>>
    tpu.enqueue_dma source(%dma_start3A_9 : memref<4096xf32, #tpu.memory_space<hbm>>) target(%arg6 : memref<4096xf32, #tpu.memory_space<vmem>>) target_semaphore(%arg8 : memref<!tpu.dma_semaphore, #tpu.memory_space<semaphore_mem>>)
    %mul3A_10 = arith.constant 32 : i32
    %mul3A_11 = arith.muli %arg1, %mul3A_10 : i32
    %add3A_12 = arith.constant 1 : i32
    %add3A_13 = arith.addi %mul3A_11, %add3A_12 : i32
    %mul3A_14 = arith.constant 4096 : i32
    %mul3A_15 = arith.muli %add3A_13, %mul3A_14 : i32
    %dma_start3A_16 = tpu.memref_slice %arg3[%mul3A_15] : memref<2097152xf32, #tpu.memory_space<hbm>> -> memref<4096xf32, #tpu.memory_space<hbm>>
    %dma_start3A_17 = tpu.memref_slice %arg3[%mul3A_15] : memref<2097152xf32, #tpu.memory_space<hbm>> -> memref<4096xf32, #tpu.memory_space<hbm>>
    tpu.enqueue_dma source(%dma_start3A_17 : memref<4096xf32, #tpu.memory_space<hbm>>) target(%arg10 : memref<4096xf32, #tpu.memory_space<vmem>>) target_semaphore(%arg12 : memref<!tpu.dma_semaphore, #tpu.memory_space<semaphore_mem>>)
    %scan3A = arith.constant 0 : i32
    %scan3A_18 = arith.constant 0 : i32
    %scan3A_19 = arith.constant 16 : i32
    %scan3A_20 = arith.addi %scan3A_18, %scan3A_19 : i32
    %scan3A_21 = arith.constant 1 : i32
    scf.for %scan3A_141 = %scan3A_18 to %scan3A_20 step %scan3A_21  : i32 {
      %mul3A_142 = arith.constant 2 : i32
      %mul3A_143 = arith.muli %mul3A_142, %scan3A_141 : i32
      %add3A_144 = arith.constant 0 : i32
      %add3A_145 = arith.addi %mul3A_143, %add3A_144 : i32
      %ge3A = arith.constant 2 : i32
      %ge3A_146 = arith.cmpi sge, %add3A_145, %ge3A : i32
      %convert_element_type3A = arith.extui %ge3A_146 : i1 to i32
      %cond3A = arith.constant 0 : i32
      %cond3A_147 = arith.cmpi ne, %convert_element_type3A, %cond3A : i32
      scf.if %cond3A_147 {
        %sub3A_208 = arith.constant 2 : i32
        %sub3A_209 = arith.subi %add3A_145, %sub3A_208 : i32
        %mul3A_210 = arith.constant 32 : i32
        %mul3A_211 = arith.muli %arg1, %mul3A_210 : i32
        %add3A_212 = arith.addi %mul3A_211, %sub3A_209 : i32
        %mul3A_213 = arith.constant 512 : i32
        %mul3A_214 = arith.muli %add3A_212, %mul3A_213 : i32
        %dma_wait3A_215 = arith.constant 0 : i32
        %dma_wait3A_216 = tpu.memref_slice %arg5[%mul3A_214, %dma_wait3A_215] : memref<262144x8xf32, #tpu.memory_space<hbm>> -> memref<512x8xf32, #tpu.memory_space<hbm>>
        %dma_wait3A_217 = arith.constant 0 : i32
        %dma_wait3A_218 = tpu.memref_slice %arg5[%mul3A_214, %dma_wait3A_217] : memref<262144x8xf32, #tpu.memory_space<hbm>> -> memref<512x8xf32, #tpu.memory_space<hbm>>
        tpu.wait_dma2 semaphore(%arg9 : memref<!tpu.dma_semaphore, #tpu.memory_space<semaphore_mem>>) src(%arg7 : memref<512x8xf32, #tpu.memory_space<vmem>>) dst(%dma_wait3A_218 : memref<512x8xf32, #tpu.memory_space<hbm>>)
      } else {
      }
      %mul3A_148 = arith.constant 32 : i32
      %mul3A_149 = arith.muli %arg1, %mul3A_148 : i32
      %add3A_150 = arith.addi %mul3A_149, %add3A_145 : i32
      %mul3A_151 = arith.constant 4096 : i32
      %mul3A_152 = arith.muli %add3A_150, %mul3A_151 : i32
      %dma_wait3A_153 = tpu.memref_slice %arg3[%mul3A_152] : memref<2097152xf32, #tpu.memory_space<hbm>> -> memref<4096xf32, #tpu.memory_space<hbm>>
      %dma_wait3A_154 = tpu.memref_slice %arg3[%mul3A_152] : memref<2097152xf32, #tpu.memory_space<hbm>> -> memref<4096xf32, #tpu.memory_space<hbm>>
      tpu.wait_dma2 semaphore(%arg8 : memref<!tpu.dma_semaphore, #tpu.memory_space<semaphore_mem>>) src(%dma_wait3A_154 : memref<4096xf32, #tpu.memory_space<hbm>>) dst(%arg6 : memref<4096xf32, #tpu.memory_space<vmem>>)
      %parallel_loop3A_155 = arith.constant 0 : i32
      %parallel_loop3A_156 = arith.constant 128 : i32
      %parallel_loop3A_157 = arith.constant 1 : i32
      scf.for %parallel_loop3A_208 = %parallel_loop3A_155 to %parallel_loop3A_156 step %parallel_loop3A_157  : i32 {
        %parallel_loop3A_209 = arith.constant 3 : i32
        %parallel_loop3A_210 = arith.shrui %parallel_loop3A_208, %parallel_loop3A_209 : i32
        %parallel_loop3A_211 = arith.constant 7 : i32
        %parallel_loop3A_212 = arith.andi %parallel_loop3A_208, %parallel_loop3A_211 : i32
        %parallel_loop3A_213 = arith.constant 16 : i32
        %parallel_loop3A_214 = arith.muli %parallel_loop3A_212, %parallel_loop3A_213 : i32
        %parallel_loop3A_215 = arith.constant 2 : i32
        %parallel_loop3A_216 = arith.muli %parallel_loop3A_210, %parallel_loop3A_215 : i32
        %parallel_loop3A_217 = arith.constant 128 : i32
        %parallel_loop3A_218 = arith.muli %parallel_loop3A_216, %parallel_loop3A_217 : i32
        %parallel_loop3A_219 = arith.addi %parallel_loop3A_218, %parallel_loop3A_214 : i32
        %parallel_loop3A_220 = arith.index_cast %parallel_loop3A_219 : i32 to index
        %parallel_loop3A_221 = tpu.vector_load %arg6[%parallel_loop3A_220] {strides = array<i32>} : memref<4096xf32, #tpu.memory_space<vmem>>, vector<16xf32>,
        %parallel_loop3A_222 = arith.constant 128 : i32
        %parallel_loop3A_223 = arith.addi %parallel_loop3A_219, %parallel_loop3A_222 : i32
        %parallel_loop3A_224 = arith.index_cast %parallel_loop3A_223 : i32 to index
        %parallel_loop3A_225 = tpu.vector_load %arg6[%parallel_loop3A_224] {strides = array<i32>} : memref<4096xf32, #tpu.memory_space<vmem>>, vector<16xf32>,
        %parallel_loop3A_226 = arith.constant 128 : i32
        %parallel_loop3A_227 = arith.muli %parallel_loop3A_210, %parallel_loop3A_226 : i32
        %parallel_loop3A_228 = arith.addi %parallel_loop3A_227, %parallel_loop3A_214 : i32
        %parallel_loop3A_229 = vector.broadcast %parallel_loop3A_228 : i32 to vector<16xi32>
        %parallel_loop3A_230 = arith.addi %parallel_loop3A_229, %iota3A : vector<16xi32>
        %parallel_loop3A_231 = arith.constant 2 : i32
        %parallel_loop3A_232 = vector.broadcast %parallel_loop3A_231 : i32 to vector<16xi32>
        %parallel_loop3A_233 = arith.shrui %parallel_loop3A_230, %parallel_loop3A_232 : vector<16xi32>
        %parallel_loop3A_234 = arith.constant 3 : i32
        %parallel_loop3A_235 = vector.broadcast %parallel_loop3A_234 : i32 to vector<16xi32>
        %parallel_loop3A_236 = arith.andi %parallel_loop3A_230, %parallel_loop3A_235 : vector<16xi32>
        %parallel_loop3A_237 = arith.constant 1 : i32
        %parallel_loop3A_238 = vector.broadcast %parallel_loop3A_237 : i32 to vector<16xi32>
        %parallel_loop3A_239 = arith.shli %parallel_loop3A_236, %parallel_loop3A_238 : vector<16xi32>
        tpu.vector_store_idx %arg7[%parallel_loop3A_233, %parallel_loop3A_239], %parallel_loop3A_221 : memref<512x8xf32, #tpu.memory_space<vmem>>[vector<16xi32>, vector<16xi32>], vector<16xf32>,
        %parallel_loop3A_240 = arith.constant 1 : i32
        %parallel_loop3A_241 = vector.broadcast %parallel_loop3A_240 : i32 to vector<16xi32>
        %parallel_loop3A_242 = arith.addi %parallel_loop3A_239, %parallel_loop3A_241 : vector<16xi32>
        tpu.vector_store_idx %arg7[%parallel_loop3A_233, %parallel_loop3A_242], %parallel_loop3A_225 : memref<512x8xf32, #tpu.memory_space<vmem>>[vector<16xi32>, vector<16xi32>], vector<16xf32>,
      } {sc.loop_unroll_factor = 4 : i64, sc.parallel_access}
      %mul3A_158 = arith.constant 32 : i32
      %mul3A_159 = arith.muli %arg1, %mul3A_158 : i32
      %add3A_160 = arith.addi %mul3A_159, %add3A_145 : i32
      %mul3A_161 = arith.constant 512 : i32
      %mul3A_162 = arith.muli %add3A_160, %mul3A_161 : i32
      %dma_start3A_163 = arith.constant 0 : i32
      %dma_start3A_164 = tpu.memref_slice %arg5[%mul3A_162, %dma_start3A_163] : memref<262144x8xf32, #tpu.memory_space<hbm>> -> memref<512x8xf32, #tpu.memory_space<hbm>>
      %dma_start3A_165 = arith.constant 0 : i32
      %dma_start3A_166 = tpu.memref_slice %arg5[%mul3A_162, %dma_start3A_165] : memref<262144x8xf32, #tpu.memory_space<hbm>> -> memref<512x8xf32, #tpu.memory_space<hbm>>
      tpu.enqueue_dma source(%arg7 : memref<512x8xf32, #tpu.memory_space<vmem>>) target(%dma_start3A_166 : memref<512x8xf32, #tpu.memory_space<hbm>>) target_semaphore(%arg9 : memref<!tpu.dma_semaphore, #tpu.memory_space<semaphore_mem>>)
      %add3A_167 = arith.constant 2 : i32
      %add3A_168 = arith.addi %add3A_145, %add3A_167 : i32
      %lt3A = arith.constant 32 : i32
      %lt3A_169 = arith.cmpi slt, %add3A_168, %lt3A : i32
      %convert_element_type3A_170 = arith.extui %lt3A_169 : i1 to i32
      %cond3A_171 = arith.constant 0 : i32
      %cond3A_172 = arith.cmpi ne, %convert_element_type3A_170, %cond3A_171 : i32
      scf.if %cond3A_172 {
        %add3A_208 = arith.constant 2 : i32
        %add3A_209 = arith.addi %add3A_145, %add3A_208 : i32
        %mul3A_210 = arith.constant 32 : i32
        %mul3A_211 = arith.muli %arg1, %mul3A_210 : i32
        %add3A_212 = arith.addi %mul3A_211, %add3A_209 : i32
        %mul3A_213 = arith.constant 4096 : i32
        %mul3A_214 = arith.muli %add3A_212, %mul3A_213 : i32
        %dma_start3A_215 = tpu.memref_slice %arg3[%mul3A_214] : memref<2097152xf32, #tpu.memory_space<hbm>> -> memref<4096xf32, #tpu.memory_space<hbm>>
        %dma_start3A_216 = tpu.memref_slice %arg3[%mul3A_214] : memref<2097152xf32, #tpu.memory_space<hbm>> -> memref<4096xf32, #tpu.memory_space<hbm>>
        tpu.enqueue_dma source(%dma_start3A_216 : memref<4096xf32, #tpu.memory_space<hbm>>) target(%arg6 : memref<4096xf32, #tpu.memory_space<vmem>>) target_semaphore(%arg8 : memref<!tpu.dma_semaphore, #tpu.memory_space<semaphore_mem>>)
      } else {
      }
      %mul3A_173 = arith.constant 2 : i32
      %mul3A_174 = arith.muli %mul3A_173, %scan3A_141 : i32
      %add3A_175 = arith.constant 1 : i32
      %add3A_176 = arith.addi %mul3A_174, %add3A_175 : i32
      %ge3A_177 = arith.constant 2 : i32
      %ge3A_178 = arith.cmpi sge, %add3A_176, %ge3A_177 : i32
      %convert_element_type3A_179 = arith.extui %ge3A_178 : i1 to i32
      %cond3A_180 = arith.constant 0 : i32
      %cond3A_181 = arith.cmpi ne, %convert_element_type3A_179, %cond3A_180 : i32
      scf.if %cond3A_181 {
        %sub3A_208 = arith.constant 2 : i32
        %sub3A_209 = arith.subi %add3A_176, %sub3A_208 : i32
        %mul3A_210 = arith.constant 32 : i32
        %mul3A_211 = arith.muli %arg1, %mul3A_210 : i32
        %add3A_212 = arith.addi %mul3A_211, %sub3A_209 : i32
        %mul3A_213 = arith.constant 512 : i32
        %mul3A_214 = arith.muli %add3A_212, %mul3A_213 : i32
        %dma_wait3A_215 = arith.constant 0 : i32
        %dma_wait3A_216 = tpu.memref_slice %arg5[%mul3A_214, %dma_wait3A_215] : memref<262144x8xf32, #tpu.memory_space<hbm>> -> memref<512x8xf32, #tpu.memory_space<hbm>>
        %dma_wait3A_217 = arith.constant 0 : i32
        %dma_wait3A_218 = tpu.memref_slice %arg5[%mul3A_214, %dma_wait3A_217] : memref<262144x8xf32, #tpu.memory_space<hbm>> -> memref<512x8xf32, #tpu.memory_space<hbm>>
        tpu.wait_dma2 semaphore(%arg13 : memref<!tpu.dma_semaphore, #tpu.memory_space<semaphore_mem>>) src(%arg11 : memref<512x8xf32, #tpu.memory_space<vmem>>) dst(%dma_wait3A_218 : memref<512x8xf32, #tpu.memory_space<hbm>>)
      } else {
      }
      %mul3A_182 = arith.constant 32 : i32
      %mul3A_183 = arith.muli %arg1, %mul3A_182 : i32
      %add3A_184 = arith.addi %mul3A_183, %add3A_176 : i32
      %mul3A_185 = arith.constant 4096 : i32
      %mul3A_186 = arith.muli %add3A_184, %mul3A_185 : i32
      %dma_wait3A_187 = tpu.memref_slice %arg3[%mul3A_186] : memref<2097152xf32, #tpu.memory_space<hbm>> -> memref<4096xf32, #tpu.memory_space<hbm>>
      %dma_wait3A_188 = tpu.memref_slice %arg3[%mul3A_186] : memref<2097152xf32, #tpu.memory_space<hbm>> -> memref<4096xf32, #tpu.memory_space<hbm>>
      tpu.wait_dma2 semaphore(%arg12 : memref<!tpu.dma_semaphore, #tpu.memory_space<semaphore_mem>>) src(%dma_wait3A_188 : memref<4096xf32, #tpu.memory_space<hbm>>) dst(%arg10 : memref<4096xf32, #tpu.memory_space<vmem>>)
      %parallel_loop3A_189 = arith.constant 0 : i32
      %parallel_loop3A_190 = arith.constant 128 : i32
      %parallel_loop3A_191 = arith.constant 1 : i32
      scf.for %parallel_loop3A_208 = %parallel_loop3A_189 to %parallel_loop3A_190 step %parallel_loop3A_191  : i32 {
        %parallel_loop3A_209 = arith.constant 3 : i32
        %parallel_loop3A_210 = arith.shrui %parallel_loop3A_208, %parallel_loop3A_209 : i32
        %parallel_loop3A_211 = arith.constant 7 : i32
        %parallel_loop3A_212 = arith.andi %parallel_loop3A_208, %parallel_loop3A_211 : i32
        %parallel_loop3A_213 = arith.constant 16 : i32
        %parallel_loop3A_214 = arith.muli %parallel_loop3A_212, %parallel_loop3A_213 : i32
        %parallel_loop3A_215 = arith.constant 2 : i32
        %parallel_loop3A_216 = arith.muli %parallel_loop3A_210, %parallel_loop3A_215 : i32
        %parallel_loop3A_217 = arith.constant 128 : i32
        %parallel_loop3A_218 = arith.muli %parallel_loop3A_216, %parallel_loop3A_217 : i32
        %parallel_loop3A_219 = arith.addi %parallel_loop3A_218, %parallel_loop3A_214 : i32
        %parallel_loop3A_220 = arith.index_cast %parallel_loop3A_219 : i32 to index
        %parallel_loop3A_221 = tpu.vector_load %arg10[%parallel_loop3A_220] {strides = array<i32>} : memref<4096xf32, #tpu.memory_space<vmem>>, vector<16xf32>,
        %parallel_loop3A_222 = arith.constant 128 : i32
        %parallel_loop3A_223 = arith.addi %parallel_loop3A_219, %parallel_loop3A_222 : i32
        %parallel_loop3A_224 = arith.index_cast %parallel_loop3A_223 : i32 to index
        %parallel_loop3A_225 = tpu.vector_load %arg10[%parallel_loop3A_224] {strides = array<i32>} : memref<4096xf32, #tpu.memory_space<vmem>>, vector<16xf32>,
        %parallel_loop3A_226 = arith.constant 128 : i32
        %parallel_loop3A_227 = arith.muli %parallel_loop3A_210, %parallel_loop3A_226 : i32
        %parallel_loop3A_228 = arith.addi %parallel_loop3A_227, %parallel_loop3A_214 : i32
        %parallel_loop3A_229 = vector.broadcast %parallel_loop3A_228 : i32 to vector<16xi32>
        %parallel_loop3A_230 = arith.addi %parallel_loop3A_229, %iota3A : vector<16xi32>
        %parallel_loop3A_231 = arith.constant 2 : i32
        %parallel_loop3A_232 = vector.broadcast %parallel_loop3A_231 : i32 to vector<16xi32>
        %parallel_loop3A_233 = arith.shrui %parallel_loop3A_230, %parallel_loop3A_232 : vector<16xi32>
        %parallel_loop3A_234 = arith.constant 3 : i32
        %parallel_loop3A_235 = vector.broadcast %parallel_loop3A_234 : i32 to vector<16xi32>
        %parallel_loop3A_236 = arith.andi %parallel_loop3A_230, %parallel_loop3A_235 : vector<16xi32>
        %parallel_loop3A_237 = arith.constant 1 : i32
        %parallel_loop3A_238 = vector.broadcast %parallel_loop3A_237 : i32 to vector<16xi32>
        %parallel_loop3A_239 = arith.shli %parallel_loop3A_236, %parallel_loop3A_238 : vector<16xi32>
        tpu.vector_store_idx %arg11[%parallel_loop3A_233, %parallel_loop3A_239], %parallel_loop3A_221 : memref<512x8xf32, #tpu.memory_space<vmem>>[vector<16xi32>, vector<16xi32>], vector<16xf32>,
        %parallel_loop3A_240 = arith.constant 1 : i32
        %parallel_loop3A_241 = vector.broadcast %parallel_loop3A_240 : i32 to vector<16xi32>
        %parallel_loop3A_242 = arith.addi %parallel_loop3A_239, %parallel_loop3A_241 : vector<16xi32>
        tpu.vector_store_idx %arg11[%parallel_loop3A_233, %parallel_loop3A_242], %parallel_loop3A_225 : memref<512x8xf32, #tpu.memory_space<vmem>>[vector<16xi32>, vector<16xi32>], vector<16xf32>,
      } {sc.loop_unroll_factor = 4 : i64, sc.parallel_access}
      %mul3A_192 = arith.constant 32 : i32
      %mul3A_193 = arith.muli %arg1, %mul3A_192 : i32
      %add3A_194 = arith.addi %mul3A_193, %add3A_176 : i32
      %mul3A_195 = arith.constant 512 : i32
      %mul3A_196 = arith.muli %add3A_194, %mul3A_195 : i32
      %dma_start3A_197 = arith.constant 0 : i32
      %dma_start3A_198 = tpu.memref_slice %arg5[%mul3A_196, %dma_start3A_197] : memref<262144x8xf32, #tpu.memory_space<hbm>> -> memref<512x8xf32, #tpu.memory_space<hbm>>
      %dma_start3A_199 = arith.constant 0 : i32
      %dma_start3A_200 = tpu.memref_slice %arg5[%mul3A_196, %dma_start3A_199] : memref<262144x8xf32, #tpu.memory_space<hbm>> -> memref<512x8xf32, #tpu.memory_space<hbm>>
      tpu.enqueue_dma source(%arg11 : memref<512x8xf32, #tpu.memory_space<vmem>>) target(%dma_start3A_200 : memref<512x8xf32, #tpu.memory_space<hbm>>) target_semaphore(%arg13 : memref<!tpu.dma_semaphore, #tpu.memory_space<semaphore_mem>>)
      %add3A_201 = arith.constant 2 : i32
      %add3A_202 = arith.addi %add3A_176, %add3A_201 : i32
      %lt3A_203 = arith.constant 32 : i32
      %lt3A_204 = arith.cmpi slt, %add3A_202, %lt3A_203 : i32
      %convert_element_type3A_205 = arith.extui %lt3A_204 : i1 to i32
      %cond3A_206 = arith.constant 0 : i32
      %cond3A_207 = arith.cmpi ne, %convert_element_type3A_205, %cond3A_206 : i32
      scf.if %cond3A_207 {
        %add3A_208 = arith.constant 2 : i32
        %add3A_209 = arith.addi %add3A_176, %add3A_208 : i32
        %mul3A_210 = arith.constant 32 : i32
        %mul3A_211 = arith.muli %arg1, %mul3A_210 : i32
        %add3A_212 = arith.addi %mul3A_211, %add3A_209 : i32
        %mul3A_213 = arith.constant 4096 : i32
        %mul3A_214 = arith.muli %add3A_212, %mul3A_213 : i32
        %dma_start3A_215 = tpu.memref_slice %arg3[%mul3A_214] : memref<2097152xf32, #tpu.memory_space<hbm>> -> memref<4096xf32, #tpu.memory_space<hbm>>
        %dma_start3A_216 = tpu.memref_slice %arg3[%mul3A_214] : memref<2097152xf32, #tpu.memory_space<hbm>> -> memref<4096xf32, #tpu.memory_space<hbm>>
        tpu.enqueue_dma source(%dma_start3A_216 : memref<4096xf32, #tpu.memory_space<hbm>>) target(%arg10 : memref<4096xf32, #tpu.memory_space<vmem>>) target_semaphore(%arg12 : memref<!tpu.dma_semaphore, #tpu.memory_space<semaphore_mem>>)
      } else {
      }
    }
    %scan3A_22 = arith.constant 16 : i32
    %mul3A_23 = arith.constant 32 : i32
    %mul3A_24 = arith.muli %arg1, %mul3A_23 : i32
    %add3A_25 = arith.constant 30 : i32
    %add3A_26 = arith.addi %mul3A_24, %add3A_25 : i32
    %mul3A_27 = arith.constant 512 : i32
    %mul3A_28 = arith.muli %add3A_26, %mul3A_27 : i32
    %dma_wait3A = arith.constant 0 : i32
    %dma_wait3A_29 = tpu.memref_slice %arg5[%mul3A_28, %dma_wait3A] : memref<262144x8xf32, #tpu.memory_space<hbm>> -> memref<512x8xf32, #tpu.memory_space<hbm>>
    %dma_wait3A_30 = arith.constant 0 : i32
    %dma_wait3A_31 = tpu.memref_slice %arg5[%mul3A_28, %dma_wait3A_30] : memref<262144x8xf32, #tpu.memory_space<hbm>> -> memref<512x8xf32, #tpu.memory_space<hbm>>
    tpu.wait_dma2 semaphore(%arg9 : memref<!tpu.dma_semaphore, #tpu.memory_space<semaphore_mem>>) src(%arg7 : memref<512x8xf32, #tpu.memory_space<vmem>>) dst(%dma_wait3A_31 : memref<512x8xf32, #tpu.memory_space<hbm>>)
    %mul3A_32 = arith.constant 32 : i32
    %mul3A_33 = arith.muli %arg1, %mul3A_32 : i32
    %add3A_34 = arith.constant 31 : i32
    %add3A_35 = arith.addi %mul3A_33, %add3A_34 : i32
    %mul3A_36 = arith.constant 512 : i32
    %mul3A_37 = arith.muli %add3A_35, %mul3A_36 : i32
    %dma_wait3A_38 = arith.constant 0 : i32
    %dma_wait3A_39 = tpu.memref_slice %arg5[%mul3A_37, %dma_wait3A_38] : memref<262144x8xf32, #tpu.memory_space<hbm>> -> memref<512x8xf32, #tpu.memory_space<hbm>>
    %dma_wait3A_40 = arith.constant 0 : i32
    %dma_wait3A_41 = tpu.memref_slice %arg5[%mul3A_37, %dma_wait3A_40] : memref<262144x8xf32, #tpu.memory_space<hbm>> -> memref<512x8xf32, #tpu.memory_space<hbm>>
    tpu.wait_dma2 semaphore(%arg13 : memref<!tpu.dma_semaphore, #tpu.memory_space<semaphore_mem>>) src(%arg11 : memref<512x8xf32, #tpu.memory_space<vmem>>) dst(%dma_wait3A_41 : memref<512x8xf32, #tpu.memory_space<hbm>>)
    %barrier3A = arith.constant 0 : index
    tpu.barrier barrier_id(%barrier3A)
    %add3A_42 = arith.constant 0 : i32
    %add3A_43 = arith.addi %mul3A_2, %add3A_42 : i32
    %mul3A_44 = arith.constant 1024 : i32
    %mul3A_45 = arith.muli %add3A_43, %mul3A_44 : i32
    "tpu.region"() ({
      %run_scoped3A = tpu.sem_alloc : memref<!tpu.dma_semaphore, #tpu.memory_space<semaphore_mem>>
      %dma_start3A_141 = tpu.memref_slice %arg2[%mul3A_45] : memref<3276800xi32, #tpu.memory_space<hbm>> -> memref<1024xi32, #tpu.memory_space<hbm>>
      %dma_start3A_142 = tpu.memref_slice %arg2[%mul3A_45] : memref<3276800xi32, #tpu.memory_space<hbm>> -> memref<1024xi32, #tpu.memory_space<hbm>>
      tpu.enqueue_dma source(%dma_start3A_142 : memref<1024xi32, #tpu.memory_space<hbm>>) target(%arg14 : memref<1024xi32, #tpu.memory_space<vmem>>) target_semaphore(%run_scoped3A : memref<!tpu.dma_semaphore, #tpu.memory_space<semaphore_mem>>)
      %dma_wait3A_143 = tpu.memref_slice %arg2[%mul3A_45] : memref<3276800xi32, #tpu.memory_space<hbm>> -> memref<1024xi32, #tpu.memory_space<hbm>>
      %dma_wait3A_144 = tpu.memref_slice %arg2[%mul3A_45] : memref<3276800xi32, #tpu.memory_space<hbm>> -> memref<1024xi32, #tpu.memory_space<hbm>>
      tpu.wait_dma2 semaphore(%run_scoped3A : memref<!tpu.dma_semaphore, #tpu.memory_space<semaphore_mem>>) src(%dma_wait3A_144 : memref<1024xi32, #tpu.memory_space<hbm>>) dst(%arg14 : memref<1024xi32, #tpu.memory_space<vmem>>)
      tpu.yield
    }) : () -> ()
    %parallel_loop3A = arith.constant 0 : i32
    %parallel_loop3A_46 = arith.constant 64 : i32
    %parallel_loop3A_47 = arith.constant 1 : i32
    scf.for %parallel_loop3A_141 = %parallel_loop3A to %parallel_loop3A_46 step %parallel_loop3A_47  : i32 {
      %parallel_loop3A_142 = arith.constant 16 : i32
      %parallel_loop3A_143 = arith.muli %parallel_loop3A_141, %parallel_loop3A_142 : i32
      %parallel_loop3A_144 = arith.index_cast %parallel_loop3A_143 : i32 to index
      %parallel_loop3A_145 = tpu.vector_load %arg14[%parallel_loop3A_144] {strides = array<i32>} : memref<1024xi32, #tpu.memory_space<vmem>>, vector<16xi32>,
      %parallel_loop3A_146 = arith.constant 2 : i32
      %parallel_loop3A_147 = vector.broadcast %parallel_loop3A_146 : i32 to vector<16xi32>
      %parallel_loop3A_148 = arith.shrui %parallel_loop3A_145, %parallel_loop3A_147 : vector<16xi32>
      %parallel_loop3A_149 = arith.constant 16 : i32
      %parallel_loop3A_150 = arith.muli %parallel_loop3A_141, %parallel_loop3A_149 : i32
      %parallel_loop3A_151 = arith.index_cast %parallel_loop3A_150 : i32 to index
      %parallel_loop3A_152 = tpu.vector_load %arg15[%parallel_loop3A_151] {strides = array<i32>} : memref<1024xi32, #tpu.memory_space<vmem>>, vector<16xi32>,
      tpu.vector_store %arg15[%parallel_loop3A_151], %parallel_loop3A_148 {strides = array<i32>} : memref<1024xi32, #tpu.memory_space<vmem>>, vector<16xi32>,
    } {sc.loop_unroll_factor = 4 : i64, sc.parallel_access}
    %dma_start3A_48 = arith.constant 0 : i32
    %dma_start3A_49 = arith.constant 0 : i32
    %dma_start3A_50 = tpu.memref_slice %arg5[%dma_start3A_48, %dma_start3A_49] : memref<262144x8xf32, #tpu.memory_space<hbm>> -> memref<262144x8xf32, #tpu.memory_space<hbm>>
    tpu.enqueue_indirect_dma source(%dma_start3A_50 : memref<262144x8xf32, #tpu.memory_space<hbm>>) target(%arg16 : memref<1024x8xf32, #tpu.memory_space<vmem>>) offsets(%arg15 : memref<1024xi32, #tpu.memory_space<vmem>>) semaphore(%arg18 : memref<!tpu.dma_semaphore, #tpu.memory_space<semaphore_mem>>)
    %add3A_51 = arith.constant 1 : i32
    %add3A_52 = arith.addi %mul3A_2, %add3A_51 : i32
    %mul3A_53 = arith.constant 1024 : i32
    %mul3A_54 = arith.muli %add3A_52, %mul3A_53 : i32
    "tpu.region"() ({
      %run_scoped3A = tpu.sem_alloc : memref<!tpu.dma_semaphore, #tpu.memory_space<semaphore_mem>>
      %dma_start3A_141 = tpu.memref_slice %arg2[%mul3A_54] : memref<3276800xi32, #tpu.memory_space<hbm>> -> memref<1024xi32, #tpu.memory_space<hbm>>
      %dma_start3A_142 = tpu.memref_slice %arg2[%mul3A_54] : memref<3276800xi32, #tpu.memory_space<hbm>> -> memref<1024xi32, #tpu.memory_space<hbm>>
      tpu.enqueue_dma source(%dma_start3A_142 : memref<1024xi32, #tpu.memory_space<hbm>>) target(%arg20 : memref<1024xi32, #tpu.memory_space<vmem>>) target_semaphore(%run_scoped3A : memref<!tpu.dma_semaphore, #tpu.memory_space<semaphore_mem>>)
      %dma_wait3A_143 = tpu.memref_slice %arg2[%mul3A_54] : memref<3276800xi32, #tpu.memory_space<hbm>> -> memref<1024xi32, #tpu.memory_space<hbm>>
      %dma_wait3A_144 = tpu.memref_slice %arg2[%mul3A_54] : memref<3276800xi32, #tpu.memory_space<hbm>> -> memref<1024xi32, #tpu.memory_space<hbm>>
      tpu.wait_dma2 semaphore(%run_scoped3A : memref<!tpu.dma_semaphore, #tpu.memory_space<semaphore_mem>>) src(%dma_wait3A_144 : memref<1024xi32, #tpu.memory_space<hbm>>) dst(%arg20 : memref<1024xi32, #tpu.memory_space<vmem>>)
      tpu.yield
    }) : () -> ()
    %parallel_loop3A_55 = arith.constant 0 : i32
    %parallel_loop3A_56 = arith.constant 64 : i32
    %parallel_loop3A_57 = arith.constant 1 : i32
    scf.for %parallel_loop3A_141 = %parallel_loop3A_55 to %parallel_loop3A_56 step %parallel_loop3A_57  : i32 {
      %parallel_loop3A_142 = arith.constant 16 : i32
      %parallel_loop3A_143 = arith.muli %parallel_loop3A_141, %parallel_loop3A_142 : i32
      %parallel_loop3A_144 = arith.index_cast %parallel_loop3A_143 : i32 to index
      %parallel_loop3A_145 = tpu.vector_load %arg20[%parallel_loop3A_144] {strides = array<i32>} : memref<1024xi32, #tpu.memory_space<vmem>>, vector<16xi32>,
      %parallel_loop3A_146 = arith.constant 2 : i32
      %parallel_loop3A_147 = vector.broadcast %parallel_loop3A_146 : i32 to vector<16xi32>
      %parallel_loop3A_148 = arith.shrui %parallel_loop3A_145, %parallel_loop3A_147 : vector<16xi32>
      %parallel_loop3A_149 = arith.constant 16 : i32
      %parallel_loop3A_150 = arith.muli %parallel_loop3A_141, %parallel_loop3A_149 : i32
      %parallel_loop3A_151 = arith.index_cast %parallel_loop3A_150 : i32 to index
      %parallel_loop3A_152 = tpu.vector_load %arg21[%parallel_loop3A_151] {strides = array<i32>} : memref<1024xi32, #tpu.memory_space<vmem>>, vector<16xi32>,
      tpu.vector_store %arg21[%parallel_loop3A_151], %parallel_loop3A_148 {strides = array<i32>} : memref<1024xi32, #tpu.memory_space<vmem>>, vector<16xi32>,
    } {sc.loop_unroll_factor = 4 : i64, sc.parallel_access}
    %dma_start3A_58 = arith.constant 0 : i32
    %dma_start3A_59 = arith.constant 0 : i32
    %dma_start3A_60 = tpu.memref_slice %arg5[%dma_start3A_58, %dma_start3A_59] : memref<262144x8xf32, #tpu.memory_space<hbm>> -> memref<262144x8xf32, #tpu.memory_space<hbm>>
    tpu.enqueue_indirect_dma source(%dma_start3A_60 : memref<262144x8xf32, #tpu.memory_space<hbm>>) target(%arg22 : memref<1024x8xf32, #tpu.memory_space<vmem>>) offsets(%arg21 : memref<1024xi32, #tpu.memory_space<vmem>>) semaphore(%arg24 : memref<!tpu.dma_semaphore, #tpu.memory_space<semaphore_mem>>)
    %scan3A_61 = arith.constant 0 : i32
    %scan3A_62 = arith.constant 0 : i32
    %scan3A_63 = arith.constant 50 : i32
    %scan3A_64 = arith.addi %scan3A_62, %scan3A_63 : i32
    %scan3A_65 = arith.constant 1 : i32
    scf.for %scan3A_141 = %scan3A_62 to %scan3A_64 step %scan3A_65  : i32 {
      %mul3A_142 = arith.constant 2 : i32
      %mul3A_143 = arith.muli %mul3A_142, %scan3A_141 : i32
      %add3A_144 = arith.addi %mul3A_2, %mul3A_143 : i32
      %add3A_145 = arith.constant 0 : i32
      %add3A_146 = arith.addi %add3A_144, %add3A_145 : i32
      %dma_wait3A_147 = arith.constant 0 : i32
      %dma_wait3A_148 = arith.constant 0 : i32
      %dma_wait3A_149 = tpu.memref_slice %arg5[%dma_wait3A_147, %dma_wait3A_148] : memref<262144x8xf32, #tpu.memory_space<hbm>> -> memref<262144x8xf32, #tpu.memory_space<hbm>>
      tpu.wait_indirect_dma semaphore(%arg18 : memref<!tpu.dma_semaphore, #tpu.memory_space<semaphore_mem>>) src(%dma_wait3A_149 : memref<262144x8xf32, #tpu.memory_space<hbm>>) dst(%arg16 : memref<1024x8xf32, #tpu.memory_space<vmem>>)
      %mul3A_150 = arith.constant 2 : i32
      %mul3A_151 = arith.muli %mul3A_150, %scan3A_141 : i32
      %add3A_152 = arith.constant 0 : i32
      %add3A_153 = arith.addi %mul3A_151, %add3A_152 : i32
      %ge3A = arith.constant 2 : i32
      %ge3A_154 = arith.cmpi sge, %add3A_153, %ge3A : i32
      %convert_element_type3A = arith.extui %ge3A_154 : i1 to i32
      %cond3A = arith.constant 0 : i32
      %cond3A_155 = arith.cmpi ne, %convert_element_type3A, %cond3A : i32
      scf.if %cond3A_155 {
        %sub3A_312 = arith.constant 2 : i32
        %sub3A_313 = arith.subi %add3A_146, %sub3A_312 : i32
        %jit3A_314 = arith.constant 128 : i32
        %div3A_315 = arith.divsi %sub3A_313, %jit3A_314 : i32
        %sign3A_316 = arith.constant 0 : i32
        %sign3A_317 = arith.cmpi sgt, %sub3A_313, %sign3A_316 : i32
        %sign3A_318 = arith.extui %sign3A_317 : i1 to i32
        %sign3A_319 = arith.constant 0 : i32
        %sign3A_320 = arith.cmpi slt, %sub3A_313, %sign3A_319 : i32
        %sign3A_321 = arith.extui %sign3A_320 : i1 to i32
        %sign3A_322 = arith.subi %sign3A_318, %sign3A_321 : i32
        %sign3A_323 = arith.constant 0 : i32
        %sign3A_324 = arith.cmpi sgt, %jit3A_314, %sign3A_323 : i32
        %sign3A_325 = arith.extui %sign3A_324 : i1 to i32
        %sign3A_326 = arith.constant 0 : i32
        %sign3A_327 = arith.cmpi slt, %jit3A_314, %sign3A_326 : i32
        %sign3A_328 = arith.extui %sign3A_327 : i1 to i32
        %sign3A_329 = arith.subi %sign3A_325, %sign3A_328 : i32
        %ne3A_330 = arith.cmpi ne, %sign3A_322, %sign3A_329 : i32
        %rem3A_331 = arith.remsi %sub3A_313, %jit3A_314 : i32
        %ne3A_332 = arith.constant 0 : i32
        %ne3A_333 = arith.cmpi ne, %rem3A_331, %ne3A_332 : i32
        %and3A_334 = arith.andi %ne3A_330, %ne3A_333 : i1
        %sub3A_335 = arith.constant 1 : i32
        %sub3A_336 = arith.subi %div3A_315, %sub3A_335 : i32
        %select_n3A_337 = arith.select %and3A_334, %sub3A_336, %div3A_315 : i32
        %mul3A_338 = arith.constant 128 : i32
        %mul3A_339 = arith.muli %select_n3A_337, %mul3A_338 : i32
        %sub3A_340 = arith.subi %sub3A_313, %mul3A_339 : i32
        %mul3A_341 = arith.constant 8 : i32
        %mul3A_342 = arith.muli %select_n3A_337, %mul3A_341 : i32
        %mul3A_343 = arith.constant 2 : i32
        %mul3A_344 = arith.muli %sub3A_340, %mul3A_343 : i32
        %mul3A_345 = arith.constant 128 : i32
        %mul3A_346 = arith.muli %mul3A_344, %mul3A_345 : i32
        %dma_wait3A_347 = tpu.memref_slice %arg4[%mul3A_342, %mul3A_346] : memref<200x32768xf32, #tpu.memory_space<hbm>> -> memref<8x256xf32, #tpu.memory_space<hbm>>
        %dma_wait3A_348 = tpu.memref_slice %arg4[%mul3A_342, %mul3A_346] : memref<200x32768xf32, #tpu.memory_space<hbm>> -> memref<8x256xf32, #tpu.memory_space<hbm>>
        tpu.wait_dma2 semaphore(%arg19 : memref<!tpu.dma_semaphore, #tpu.memory_space<semaphore_mem>>) src(%arg17 : memref<8x256xf32, #tpu.memory_space<vmem>>) dst(%dma_wait3A_348 : memref<8x256xf32, #tpu.memory_space<hbm>>)
      } else {
      }
      %parallel_loop3A_156 = arith.constant 0 : i32
      %parallel_loop3A_157 = arith.constant 8 : i32
      %parallel_loop3A_158 = arith.constant 1 : i32
      scf.for %parallel_loop3A_312 = %parallel_loop3A_156 to %parallel_loop3A_157 step %parallel_loop3A_158  : i32 {
        %parallel_loop3A_313 = arith.constant 16 : i32
        %parallel_loop3A_314 = arith.muli %parallel_loop3A_312, %parallel_loop3A_313 : i32
        %parallel_loop3A_315 = arith.constant 0 : i32
        %parallel_loop3A_316 = arith.addi %parallel_loop3A_315, %parallel_loop3A_314 : i32
        %parallel_loop3A_317 = arith.index_cast %parallel_loop3A_316 : i32 to index
        %parallel_loop3A_318 = tpu.vector_load %arg14[%parallel_loop3A_317] {strides = array<i32>} : memref<1024xi32, #tpu.memory_space<vmem>>, vector<16xi32>,
        %parallel_loop3A_319 = arith.constant 3 : i32
        %parallel_loop3A_320 = vector.broadcast %parallel_loop3A_319 : i32 to vector<16xi32>
        %parallel_loop3A_321 = arith.andi %parallel_loop3A_318, %parallel_loop3A_320 : vector<16xi32>
        %parallel_loop3A_322 = arith.constant 1 : i32
        %parallel_loop3A_323 = vector.broadcast %parallel_loop3A_322 : i32 to vector<16xi32>
        %parallel_loop3A_324 = arith.shli %parallel_loop3A_321, %parallel_loop3A_323 : vector<16xi32>
        %parallel_loop3A_325 = vector.broadcast %parallel_loop3A_316 : i32 to vector<16xi32>
        %parallel_loop3A_326 = arith.addi %iota3A, %parallel_loop3A_325 : vector<16xi32>
        %parallel_loop3A_327 = tpu.vector_load_idx %arg16[%parallel_loop3A_326, %parallel_loop3A_324] : memref<1024x8xf32, #tpu.memory_space<vmem>>[vector<16xi32>, vector<16xi32>], vector<16xf32>,
        %parallel_loop3A_328 = arith.constant 1 : i32
        %parallel_loop3A_329 = vector.broadcast %parallel_loop3A_328 : i32 to vector<16xi32>
        %parallel_loop3A_330 = arith.addi %parallel_loop3A_324, %parallel_loop3A_329 : vector<16xi32>
        %parallel_loop3A_331 = tpu.vector_load_idx %arg16[%parallel_loop3A_326, %parallel_loop3A_330] : memref<1024x8xf32, #tpu.memory_space<vmem>>[vector<16xi32>, vector<16xi32>], vector<16xf32>,
        %parallel_loop3A_332 = arith.constant 16 : i32
        %parallel_loop3A_333 = arith.muli %parallel_loop3A_312, %parallel_loop3A_332 : i32
        %parallel_loop3A_334 = arith.constant 0 : i32
        %parallel_loop3A_335 = arith.index_cast %parallel_loop3A_334 : i32 to index
        %parallel_loop3A_336 = arith.index_cast %parallel_loop3A_333 : i32 to index
        %parallel_loop3A_337 = tpu.vector_load %arg17[%parallel_loop3A_335, %parallel_loop3A_336] {strides = array<i32>} : memref<8x256xf32, #tpu.memory_space<vmem>>, vector<16xf32>,
        tpu.vector_store %arg17[%parallel_loop3A_335, %parallel_loop3A_336], %parallel_loop3A_327 {strides = array<i32>} : memref<8x256xf32, #tpu.memory_space<vmem>>, vector<16xf32>,
        %parallel_loop3A_338 = arith.constant 16 : i32
        %parallel_loop3A_339 = arith.muli %parallel_loop3A_312, %parallel_loop3A_338 : i32
        %parallel_loop3A_340 = arith.constant 128 : i32
        %parallel_loop3A_341 = arith.addi %parallel_loop3A_340, %parallel_loop3A_339 : i32
        %parallel_loop3A_342 = arith.constant 0 : i32
        %parallel_loop3A_343 = arith.index_cast %parallel_loop3A_342 : i32 to index
        %parallel_loop3A_344 = arith.index_cast %parallel_loop3A_341 : i32 to index
        %parallel_loop3A_345 = tpu.vector_load %arg17[%parallel_loop3A_343, %parallel_loop3A_344] {strides = array<i32>} : memref<8x256xf32, #tpu.memory_space<vmem>>, vector<16xf32>,
        tpu.vector_store %arg17[%parallel_loop3A_343, %parallel_loop3A_344], %parallel_loop3A_331 {strides = array<i32>} : memref<8x256xf32, #tpu.memory_space<vmem>>, vector<16xf32>,
      } {sc.loop_unroll_factor = 4 : i64, sc.parallel_access}
      %parallel_loop3A_159 = arith.constant 0 : i32
      %parallel_loop3A_160 = arith.constant 8 : i32
      %parallel_loop3A_161 = arith.constant 1 : i32
      scf.for %parallel_loop3A_312 = %parallel_loop3A_159 to %parallel_loop3A_160 step %parallel_loop3A_161  : i32 {
        %parallel_loop3A_313 = arith.constant 16 : i32
        %parallel_loop3A_314 = arith.muli %parallel_loop3A_312, %parallel_loop3A_313 : i32
        %parallel_loop3A_315 = arith.constant 128 : i32
        %parallel_loop3A_316 = arith.addi %parallel_loop3A_315, %parallel_loop3A_314 : i32
        %parallel_loop3A_317 = arith.index_cast %parallel_loop3A_316 : i32 to index
        %parallel_loop3A_318 = tpu.vector_load %arg14[%parallel_loop3A_317] {strides = array<i32>} : memref<1024xi32, #tpu.memory_space<vmem>>, vector<16xi32>,
        %parallel_loop3A_319 = arith.constant 3 : i32
        %parallel_loop3A_320 = vector.broadcast %parallel_loop3A_319 : i32 to vector<16xi32>
        %parallel_loop3A_321 = arith.andi %parallel_loop3A_318, %parallel_loop3A_320 : vector<16xi32>
        %parallel_loop3A_322 = arith.constant 1 : i32
        %parallel_loop3A_323 = vector.broadcast %parallel_loop3A_322 : i32 to vector<16xi32>
        %parallel_loop3A_324 = arith.shli %parallel_loop3A_321, %parallel_loop3A_323 : vector<16xi32>
        %parallel_loop3A_325 = vector.broadcast %parallel_loop3A_316 : i32 to vector<16xi32>
        %parallel_loop3A_326 = arith.addi %iota3A, %parallel_loop3A_325 : vector<16xi32>
        %parallel_loop3A_327 = tpu.vector_load_idx %arg16[%parallel_loop3A_326, %parallel_loop3A_324] : memref<1024x8xf32, #tpu.memory_space<vmem>>[vector<16xi32>, vector<16xi32>], vector<16xf32>,
        %parallel_loop3A_328 = arith.constant 1 : i32
        %parallel_loop3A_329 = vector.broadcast %parallel_loop3A_328 : i32 to vector<16xi32>
        %parallel_loop3A_330 = arith.addi %parallel_loop3A_324, %parallel_loop3A_329 : vector<16xi32>
        %parallel_loop3A_331 = tpu.vector_load_idx %arg16[%parallel_loop3A_326, %parallel_loop3A_330] : memref<1024x8xf32, #tpu.memory_space<vmem>>[vector<16xi32>, vector<16xi32>], vector<16xf32>,
        %parallel_loop3A_332 = arith.constant 16 : i32
        %parallel_loop3A_333 = arith.muli %parallel_loop3A_312, %parallel_loop3A_332 : i32
        %parallel_loop3A_334 = arith.constant 1 : i32
        %parallel_loop3A_335 = arith.index_cast %parallel_loop3A_334 : i32 to index
        %parallel_loop3A_336 = arith.index_cast %parallel_loop3A_333 : i32 to index
        %parallel_loop3A_337 = tpu.vector_load %arg17[%parallel_loop3A_335, %parallel_loop3A_336] {strides = array<i32>} : memref<8x256xf32, #tpu.memory_space<vmem>>, vector<16xf32>,
        tpu.vector_store %arg17[%parallel_loop3A_335, %parallel_loop3A_336], %parallel_loop3A_327 {strides = array<i32>} : memref<8x256xf32, #tpu.memory_space<vmem>>, vector<16xf32>,
        %parallel_loop3A_338 = arith.constant 16 : i32
        %parallel_loop3A_339 = arith.muli %parallel_loop3A_312, %parallel_loop3A_338 : i32
        %parallel_loop3A_340 = arith.constant 128 : i32
        %parallel_loop3A_341 = arith.addi %parallel_loop3A_340, %parallel_loop3A_339 : i32
        %parallel_loop3A_342 = arith.constant 1 : i32
        %parallel_loop3A_343 = arith.index_cast %parallel_loop3A_342 : i32 to index
        %parallel_loop3A_344 = arith.index_cast %parallel_loop3A_341 : i32 to index
        %parallel_loop3A_345 = tpu.vector_load %arg17[%parallel_loop3A_343, %parallel_loop3A_344] {strides = array<i32>} : memref<8x256xf32, #tpu.memory_space<vmem>>, vector<16xf32>,
        tpu.vector_store %arg17[%parallel_loop3A_343, %parallel_loop3A_344], %parallel_loop3A_331 {strides = array<i32>} : memref<8x256xf32, #tpu.memory_space<vmem>>, vector<16xf32>,
      } {sc.loop_unroll_factor = 4 : i64, sc.parallel_access}
      %parallel_loop3A_162 = arith.constant 0 : i32
      %parallel_loop3A_163 = arith.constant 8 : i32
      %parallel_loop3A_164 = arith.constant 1 : i32
      scf.for %parallel_loop3A_312 = %parallel_loop3A_162 to %parallel_loop3A_163 step %parallel_loop3A_164  : i32 {
        %parallel_loop3A_313 = arith.constant 16 : i32
        %parallel_loop3A_314 = arith.muli %parallel_loop3A_312, %parallel_loop3A_313 : i32
        %parallel_loop3A_315 = arith.constant 256 : i32
        %parallel_loop3A_316 = arith.addi %parallel_loop3A_315, %parallel_loop3A_314 : i32
        %parallel_loop3A_317 = arith.index_cast %parallel_loop3A_316 : i32 to index
        %parallel_loop3A_318 = tpu.vector_load %arg14[%parallel_loop3A_317] {strides = array<i32>} : memref<1024xi32, #tpu.memory_space<vmem>>, vector<16xi32>,
        %parallel_loop3A_319 = arith.constant 3 : i32
        %parallel_loop3A_320 = vector.broadcast %parallel_loop3A_319 : i32 to vector<16xi32>
        %parallel_loop3A_321 = arith.andi %parallel_loop3A_318, %parallel_loop3A_320 : vector<16xi32>
        %parallel_loop3A_322 = arith.constant 1 : i32
        %parallel_loop3A_323 = vector.broadcast %parallel_loop3A_322 : i32 to vector<16xi32>
        %parallel_loop3A_324 = arith.shli %parallel_loop3A_321, %parallel_loop3A_323 : vector<16xi32>
        %parallel_loop3A_325 = vector.broadcast %parallel_loop3A_316 : i32 to vector<16xi32>
        %parallel_loop3A_326 = arith.addi %iota3A, %parallel_loop3A_325 : vector<16xi32>
        %parallel_loop3A_327 = tpu.vector_load_idx %arg16[%parallel_loop3A_326, %parallel_loop3A_324] : memref<1024x8xf32, #tpu.memory_space<vmem>>[vector<16xi32>, vector<16xi32>], vector<16xf32>,
        %parallel_loop3A_328 = arith.constant 1 : i32
        %parallel_loop3A_329 = vector.broadcast %parallel_loop3A_328 : i32 to vector<16xi32>
        %parallel_loop3A_330 = arith.addi %parallel_loop3A_324, %parallel_loop3A_329 : vector<16xi32>
        %parallel_loop3A_331 = tpu.vector_load_idx %arg16[%parallel_loop3A_326, %parallel_loop3A_330] : memref<1024x8xf32, #tpu.memory_space<vmem>>[vector<16xi32>, vector<16xi32>], vector<16xf32>,
        %parallel_loop3A_332 = arith.constant 16 : i32
        %parallel_loop3A_333 = arith.muli %parallel_loop3A_312, %parallel_loop3A_332 : i32
        %parallel_loop3A_334 = arith.constant 2 : i32
        %parallel_loop3A_335 = arith.index_cast %parallel_loop3A_334 : i32 to index
        %parallel_loop3A_336 = arith.index_cast %parallel_loop3A_333 : i32 to index
        %parallel_loop3A_337 = tpu.vector_load %arg17[%parallel_loop3A_335, %parallel_loop3A_336] {strides = array<i32>} : memref<8x256xf32, #tpu.memory_space<vmem>>, vector<16xf32>,
        tpu.vector_store %arg17[%parallel_loop3A_335, %parallel_loop3A_336], %parallel_loop3A_327 {strides = array<i32>} : memref<8x256xf32, #tpu.memory_space<vmem>>, vector<16xf32>,
        %parallel_loop3A_338 = arith.constant 16 : i32
        %parallel_loop3A_339 = arith.muli %parallel_loop3A_312, %parallel_loop3A_338 : i32
        %parallel_loop3A_340 = arith.constant 128 : i32
        %parallel_loop3A_341 = arith.addi %parallel_loop3A_340, %parallel_loop3A_339 : i32
        %parallel_loop3A_342 = arith.constant 2 : i32
        %parallel_loop3A_343 = arith.index_cast %parallel_loop3A_342 : i32 to index
        %parallel_loop3A_344 = arith.index_cast %parallel_loop3A_341 : i32 to index
        %parallel_loop3A_345 = tpu.vector_load %arg17[%parallel_loop3A_343, %parallel_loop3A_344] {strides = array<i32>} : memref<8x256xf32, #tpu.memory_space<vmem>>, vector<16xf32>,
        tpu.vector_store %arg17[%parallel_loop3A_343, %parallel_loop3A_344], %parallel_loop3A_331 {strides = array<i32>} : memref<8x256xf32, #tpu.memory_space<vmem>>, vector<16xf32>,
      } {sc.loop_unroll_factor = 4 : i64, sc.parallel_access}
      %parallel_loop3A_165 = arith.constant 0 : i32
      %parallel_loop3A_166 = arith.constant 8 : i32
      %parallel_loop3A_167 = arith.constant 1 : i32
      scf.for %parallel_loop3A_312 = %parallel_loop3A_165 to %parallel_loop3A_166 step %parallel_loop3A_167  : i32 {
        %parallel_loop3A_313 = arith.constant 16 : i32
        %parallel_loop3A_314 = arith.muli %parallel_loop3A_312, %parallel_loop3A_313 : i32
        %parallel_loop3A_315 = arith.constant 384 : i32
        %parallel_loop3A_316 = arith.addi %parallel_loop3A_315, %parallel_loop3A_314 : i32
        %parallel_loop3A_317 = arith.index_cast %parallel_loop3A_316 : i32 to index
        %parallel_loop3A_318 = tpu.vector_load %arg14[%parallel_loop3A_317] {strides = array<i32>} : memref<1024xi32, #tpu.memory_space<vmem>>, vector<16xi32>,
        %parallel_loop3A_319 = arith.constant 3 : i32
        %parallel_loop3A_320 = vector.broadcast %parallel_loop3A_319 : i32 to vector<16xi32>
        %parallel_loop3A_321 = arith.andi %parallel_loop3A_318, %parallel_loop3A_320 : vector<16xi32>
        %parallel_loop3A_322 = arith.constant 1 : i32
        %parallel_loop3A_323 = vector.broadcast %parallel_loop3A_322 : i32 to vector<16xi32>
        %parallel_loop3A_324 = arith.shli %parallel_loop3A_321, %parallel_loop3A_323 : vector<16xi32>
        %parallel_loop3A_325 = vector.broadcast %parallel_loop3A_316 : i32 to vector<16xi32>
        %parallel_loop3A_326 = arith.addi %iota3A, %parallel_loop3A_325 : vector<16xi32>
        %parallel_loop3A_327 = tpu.vector_load_idx %arg16[%parallel_loop3A_326, %parallel_loop3A_324] : memref<1024x8xf32, #tpu.memory_space<vmem>>[vector<16xi32>, vector<16xi32>], vector<16xf32>,
        %parallel_loop3A_328 = arith.constant 1 : i32
        %parallel_loop3A_329 = vector.broadcast %parallel_loop3A_328 : i32 to vector<16xi32>
        %parallel_loop3A_330 = arith.addi %parallel_loop3A_324, %parallel_loop3A_329 : vector<16xi32>
        %parallel_loop3A_331 = tpu.vector_load_idx %arg16[%parallel_loop3A_326, %parallel_loop3A_330] : memref<1024x8xf32, #tpu.memory_space<vmem>>[vector<16xi32>, vector<16xi32>], vector<16xf32>,
        %parallel_loop3A_332 = arith.constant 16 : i32
        %parallel_loop3A_333 = arith.muli %parallel_loop3A_312, %parallel_loop3A_332 : i32
        %parallel_loop3A_334 = arith.constant 3 : i32
        %parallel_loop3A_335 = arith.index_cast %parallel_loop3A_334 : i32 to index
        %parallel_loop3A_336 = arith.index_cast %parallel_loop3A_333 : i32 to index
        %parallel_loop3A_337 = tpu.vector_load %arg17[%parallel_loop3A_335, %parallel_loop3A_336] {strides = array<i32>} : memref<8x256xf32, #tpu.memory_space<vmem>>, vector<16xf32>,
        tpu.vector_store %arg17[%parallel_loop3A_335, %parallel_loop3A_336], %parallel_loop3A_327 {strides = array<i32>} : memref<8x256xf32, #tpu.memory_space<vmem>>, vector<16xf32>,
        %parallel_loop3A_338 = arith.constant 16 : i32
        %parallel_loop3A_339 = arith.muli %parallel_loop3A_312, %parallel_loop3A_338 : i32
        %parallel_loop3A_340 = arith.constant 128 : i32
        %parallel_loop3A_341 = arith.addi %parallel_loop3A_340, %parallel_loop3A_339 : i32
        %parallel_loop3A_342 = arith.constant 3 : i32
        %parallel_loop3A_343 = arith.index_cast %parallel_loop3A_342 : i32 to index
        %parallel_loop3A_344 = arith.index_cast %parallel_loop3A_341 : i32 to index
        %parallel_loop3A_345 = tpu.vector_load %arg17[%parallel_loop3A_343, %parallel_loop3A_344] {strides = array<i32>} : memref<8x256xf32, #tpu.memory_space<vmem>>, vector<16xf32>,
        tpu.vector_store %arg17[%parallel_loop3A_343, %parallel_loop3A_344], %parallel_loop3A_331 {strides = array<i32>} : memref<8x256xf32, #tpu.memory_space<vmem>>, vector<16xf32>,
      } {sc.loop_unroll_factor = 4 : i64, sc.parallel_access}
      %parallel_loop3A_168 = arith.constant 0 : i32
      %parallel_loop3A_169 = arith.constant 8 : i32
      %parallel_loop3A_170 = arith.constant 1 : i32
      scf.for %parallel_loop3A_312 = %parallel_loop3A_168 to %parallel_loop3A_169 step %parallel_loop3A_170  : i32 {
        %parallel_loop3A_313 = arith.constant 16 : i32
        %parallel_loop3A_314 = arith.muli %parallel_loop3A_312, %parallel_loop3A_313 : i32
        %parallel_loop3A_315 = arith.constant 512 : i32
        %parallel_loop3A_316 = arith.addi %parallel_loop3A_315, %parallel_loop3A_314 : i32
        %parallel_loop3A_317 = arith.index_cast %parallel_loop3A_316 : i32 to index
        %parallel_loop3A_318 = tpu.vector_load %arg14[%parallel_loop3A_317] {strides = array<i32>} : memref<1024xi32, #tpu.memory_space<vmem>>, vector<16xi32>,
        %parallel_loop3A_319 = arith.constant 3 : i32
        %parallel_loop3A_320 = vector.broadcast %parallel_loop3A_319 : i32 to vector<16xi32>
        %parallel_loop3A_321 = arith.andi %parallel_loop3A_318, %parallel_loop3A_320 : vector<16xi32>
        %parallel_loop3A_322 = arith.constant 1 : i32
        %parallel_loop3A_323 = vector.broadcast %parallel_loop3A_322 : i32 to vector<16xi32>
        %parallel_loop3A_324 = arith.shli %parallel_loop3A_321, %parallel_loop3A_323 : vector<16xi32>
        %parallel_loop3A_325 = vector.broadcast %parallel_loop3A_316 : i32 to vector<16xi32>
        %parallel_loop3A_326 = arith.addi %iota3A, %parallel_loop3A_325 : vector<16xi32>
        %parallel_loop3A_327 = tpu.vector_load_idx %arg16[%parallel_loop3A_326, %parallel_loop3A_324] : memref<1024x8xf32, #tpu.memory_space<vmem>>[vector<16xi32>, vector<16xi32>], vector<16xf32>,
        %parallel_loop3A_328 = arith.constant 1 : i32
        %parallel_loop3A_329 = vector.broadcast %parallel_loop3A_328 : i32 to vector<16xi32>
        %parallel_loop3A_330 = arith.addi %parallel_loop3A_324, %parallel_loop3A_329 : vector<16xi32>
        %parallel_loop3A_331 = tpu.vector_load_idx %arg16[%parallel_loop3A_326, %parallel_loop3A_330] : memref<1024x8xf32, #tpu.memory_space<vmem>>[vector<16xi32>, vector<16xi32>], vector<16xf32>,
        %parallel_loop3A_332 = arith.constant 16 : i32
        %parallel_loop3A_333 = arith.muli %parallel_loop3A_312, %parallel_loop3A_332 : i32
        %parallel_loop3A_334 = arith.constant 4 : i32
        %parallel_loop3A_335 = arith.index_cast %parallel_loop3A_334 : i32 to index
        %parallel_loop3A_336 = arith.index_cast %parallel_loop3A_333 : i32 to index
        %parallel_loop3A_337 = tpu.vector_load %arg17[%parallel_loop3A_335, %parallel_loop3A_336] {strides = array<i32>} : memref<8x256xf32, #tpu.memory_space<vmem>>, vector<16xf32>,
        tpu.vector_store %arg17[%parallel_loop3A_335, %parallel_loop3A_336], %parallel_loop3A_327 {strides = array<i32>} : memref<8x256xf32, #tpu.memory_space<vmem>>, vector<16xf32>,
        %parallel_loop3A_338 = arith.constant 16 : i32
        %parallel_loop3A_339 = arith.muli %parallel_loop3A_312, %parallel_loop3A_338 : i32
        %parallel_loop3A_340 = arith.constant 128 : i32
        %parallel_loop3A_341 = arith.addi %parallel_loop3A_340, %parallel_loop3A_339 : i32
        %parallel_loop3A_342 = arith.constant 4 : i32
        %parallel_loop3A_343 = arith.index_cast %parallel_loop3A_342 : i32 to index
        %parallel_loop3A_344 = arith.index_cast %parallel_loop3A_341 : i32 to index
        %parallel_loop3A_345 = tpu.vector_load %arg17[%parallel_loop3A_343, %parallel_loop3A_344] {strides = array<i32>} : memref<8x256xf32, #tpu.memory_space<vmem>>, vector<16xf32>,
        tpu.vector_store %arg17[%parallel_loop3A_343, %parallel_loop3A_344], %parallel_loop3A_331 {strides = array<i32>} : memref<8x256xf32, #tpu.memory_space<vmem>>, vector<16xf32>,
      } {sc.loop_unroll_factor = 4 : i64, sc.parallel_access}
      %parallel_loop3A_171 = arith.constant 0 : i32
      %parallel_loop3A_172 = arith.constant 8 : i32
      %parallel_loop3A_173 = arith.constant 1 : i32
      scf.for %parallel_loop3A_312 = %parallel_loop3A_171 to %parallel_loop3A_172 step %parallel_loop3A_173  : i32 {
        %parallel_loop3A_313 = arith.constant 16 : i32
        %parallel_loop3A_314 = arith.muli %parallel_loop3A_312, %parallel_loop3A_313 : i32
        %parallel_loop3A_315 = arith.constant 640 : i32
        %parallel_loop3A_316 = arith.addi %parallel_loop3A_315, %parallel_loop3A_314 : i32
        %parallel_loop3A_317 = arith.index_cast %parallel_loop3A_316 : i32 to index
        %parallel_loop3A_318 = tpu.vector_load %arg14[%parallel_loop3A_317] {strides = array<i32>} : memref<1024xi32, #tpu.memory_space<vmem>>, vector<16xi32>,
        %parallel_loop3A_319 = arith.constant 3 : i32
        %parallel_loop3A_320 = vector.broadcast %parallel_loop3A_319 : i32 to vector<16xi32>
        %parallel_loop3A_321 = arith.andi %parallel_loop3A_318, %parallel_loop3A_320 : vector<16xi32>
        %parallel_loop3A_322 = arith.constant 1 : i32
        %parallel_loop3A_323 = vector.broadcast %parallel_loop3A_322 : i32 to vector<16xi32>
        %parallel_loop3A_324 = arith.shli %parallel_loop3A_321, %parallel_loop3A_323 : vector<16xi32>
        %parallel_loop3A_325 = vector.broadcast %parallel_loop3A_316 : i32 to vector<16xi32>
        %parallel_loop3A_326 = arith.addi %iota3A, %parallel_loop3A_325 : vector<16xi32>
        %parallel_loop3A_327 = tpu.vector_load_idx %arg16[%parallel_loop3A_326, %parallel_loop3A_324] : memref<1024x8xf32, #tpu.memory_space<vmem>>[vector<16xi32>, vector<16xi32>], vector<16xf32>,
        %parallel_loop3A_328 = arith.constant 1 : i32
        %parallel_loop3A_329 = vector.broadcast %parallel_loop3A_328 : i32 to vector<16xi32>
        %parallel_loop3A_330 = arith.addi %parallel_loop3A_324, %parallel_loop3A_329 : vector<16xi32>
        %parallel_loop3A_331 = tpu.vector_load_idx %arg16[%parallel_loop3A_326, %parallel_loop3A_330] : memref<1024x8xf32, #tpu.memory_space<vmem>>[vector<16xi32>, vector<16xi32>], vector<16xf32>,
        %parallel_loop3A_332 = arith.constant 16 : i32
        %parallel_loop3A_333 = arith.muli %parallel_loop3A_312, %parallel_loop3A_332 : i32
        %parallel_loop3A_334 = arith.constant 5 : i32
        %parallel_loop3A_335 = arith.index_cast %parallel_loop3A_334 : i32 to index
        %parallel_loop3A_336 = arith.index_cast %parallel_loop3A_333 : i32 to index
        %parallel_loop3A_337 = tpu.vector_load %arg17[%parallel_loop3A_335, %parallel_loop3A_336] {strides = array<i32>} : memref<8x256xf32, #tpu.memory_space<vmem>>, vector<16xf32>,
        tpu.vector_store %arg17[%parallel_loop3A_335, %parallel_loop3A_336], %parallel_loop3A_327 {strides = array<i32>} : memref<8x256xf32, #tpu.memory_space<vmem>>, vector<16xf32>,
        %parallel_loop3A_338 = arith.constant 16 : i32
        %parallel_loop3A_339 = arith.muli %parallel_loop3A_312, %parallel_loop3A_338 : i32
        %parallel_loop3A_340 = arith.constant 128 : i32
        %parallel_loop3A_341 = arith.addi %parallel_loop3A_340, %parallel_loop3A_339 : i32
        %parallel_loop3A_342 = arith.constant 5 : i32
        %parallel_loop3A_343 = arith.index_cast %parallel_loop3A_342 : i32 to index
        %parallel_loop3A_344 = arith.index_cast %parallel_loop3A_341 : i32 to index
        %parallel_loop3A_345 = tpu.vector_load %arg17[%parallel_loop3A_343, %parallel_loop3A_344] {strides = array<i32>} : memref<8x256xf32, #tpu.memory_space<vmem>>, vector<16xf32>,
        tpu.vector_store %arg17[%parallel_loop3A_343, %parallel_loop3A_344], %parallel_loop3A_331 {strides = array<i32>} : memref<8x256xf32, #tpu.memory_space<vmem>>, vector<16xf32>,
      } {sc.loop_unroll_factor = 4 : i64, sc.parallel_access}
      %parallel_loop3A_174 = arith.constant 0 : i32
      %parallel_loop3A_175 = arith.constant 8 : i32
      %parallel_loop3A_176 = arith.constant 1 : i32
      scf.for %parallel_loop3A_312 = %parallel_loop3A_174 to %parallel_loop3A_175 step %parallel_loop3A_176  : i32 {
        %parallel_loop3A_313 = arith.constant 16 : i32
        %parallel_loop3A_314 = arith.muli %parallel_loop3A_312, %parallel_loop3A_313 : i32
        %parallel_loop3A_315 = arith.constant 768 : i32
        %parallel_loop3A_316 = arith.addi %parallel_loop3A_315, %parallel_loop3A_314 : i32
        %parallel_loop3A_317 = arith.index_cast %parallel_loop3A_316 : i32 to index
        %parallel_loop3A_318 = tpu.vector_load %arg14[%parallel_loop3A_317] {strides = array<i32>} : memref<1024xi32, #tpu.memory_space<vmem>>, vector<16xi32>,
        %parallel_loop3A_319 = arith.constant 3 : i32
        %parallel_loop3A_320 = vector.broadcast %parallel_loop3A_319 : i32 to vector<16xi32>
        %parallel_loop3A_321 = arith.andi %parallel_loop3A_318, %parallel_loop3A_320 : vector<16xi32>
        %parallel_loop3A_322 = arith.constant 1 : i32
        %parallel_loop3A_323 = vector.broadcast %parallel_loop3A_322 : i32 to vector<16xi32>
        %parallel_loop3A_324 = arith.shli %parallel_loop3A_321, %parallel_loop3A_323 : vector<16xi32>
        %parallel_loop3A_325 = vector.broadcast %parallel_loop3A_316 : i32 to vector<16xi32>
        %parallel_loop3A_326 = arith.addi %iota3A, %parallel_loop3A_325 : vector<16xi32>
        %parallel_loop3A_327 = tpu.vector_load_idx %arg16[%parallel_loop3A_326, %parallel_loop3A_324] : memref<1024x8xf32, #tpu.memory_space<vmem>>[vector<16xi32>, vector<16xi32>], vector<16xf32>,
        %parallel_loop3A_328 = arith.constant 1 : i32
        %parallel_loop3A_329 = vector.broadcast %parallel_loop3A_328 : i32 to vector<16xi32>
        %parallel_loop3A_330 = arith.addi %parallel_loop3A_324, %parallel_loop3A_329 : vector<16xi32>
        %parallel_loop3A_331 = tpu.vector_load_idx %arg16[%parallel_loop3A_326, %parallel_loop3A_330] : memref<1024x8xf32, #tpu.memory_space<vmem>>[vector<16xi32>, vector<16xi32>], vector<16xf32>,
        %parallel_loop3A_332 = arith.constant 16 : i32
        %parallel_loop3A_333 = arith.muli %parallel_loop3A_312, %parallel_loop3A_332 : i32
        %parallel_loop3A_334 = arith.constant 6 : i32
        %parallel_loop3A_335 = arith.index_cast %parallel_loop3A_334 : i32 to index
        %parallel_loop3A_336 = arith.index_cast %parallel_loop3A_333 : i32 to index
        %parallel_loop3A_337 = tpu.vector_load %arg17[%parallel_loop3A_335, %parallel_loop3A_336] {strides = array<i32>} : memref<8x256xf32, #tpu.memory_space<vmem>>, vector<16xf32>,
        tpu.vector_store %arg17[%parallel_loop3A_335, %parallel_loop3A_336], %parallel_loop3A_327 {strides = array<i32>} : memref<8x256xf32, #tpu.memory_space<vmem>>, vector<16xf32>,
        %parallel_loop3A_338 = arith.constant 16 : i32
        %parallel_loop3A_339 = arith.muli %parallel_loop3A_312, %parallel_loop3A_338 : i32
        %parallel_loop3A_340 = arith.constant 128 : i32
        %parallel_loop3A_341 = arith.addi %parallel_loop3A_340, %parallel_loop3A_339 : i32
        %parallel_loop3A_342 = arith.constant 6 : i32
        %parallel_loop3A_343 = arith.index_cast %parallel_loop3A_342 : i32 to index
        %parallel_loop3A_344 = arith.index_cast %parallel_loop3A_341 : i32 to index
        %parallel_loop3A_345 = tpu.vector_load %arg17[%parallel_loop3A_343, %parallel_loop3A_344] {strides = array<i32>} : memref<8x256xf32, #tpu.memory_space<vmem>>, vector<16xf32>,
        tpu.vector_store %arg17[%parallel_loop3A_343, %parallel_loop3A_344], %parallel_loop3A_331 {strides = array<i32>} : memref<8x256xf32, #tpu.memory_space<vmem>>, vector<16xf32>,
      } {sc.loop_unroll_factor = 4 : i64, sc.parallel_access}
      %parallel_loop3A_177 = arith.constant 0 : i32
      %parallel_loop3A_178 = arith.constant 8 : i32
      %parallel_loop3A_179 = arith.constant 1 : i32
      scf.for %parallel_loop3A_312 = %parallel_loop3A_177 to %parallel_loop3A_178 step %parallel_loop3A_179  : i32 {
        %parallel_loop3A_313 = arith.constant 16 : i32
        %parallel_loop3A_314 = arith.muli %parallel_loop3A_312, %parallel_loop3A_313 : i32
        %parallel_loop3A_315 = arith.constant 896 : i32
        %parallel_loop3A_316 = arith.addi %parallel_loop3A_315, %parallel_loop3A_314 : i32
        %parallel_loop3A_317 = arith.index_cast %parallel_loop3A_316 : i32 to index
        %parallel_loop3A_318 = tpu.vector_load %arg14[%parallel_loop3A_317] {strides = array<i32>} : memref<1024xi32, #tpu.memory_space<vmem>>, vector<16xi32>,
        %parallel_loop3A_319 = arith.constant 3 : i32
        %parallel_loop3A_320 = vector.broadcast %parallel_loop3A_319 : i32 to vector<16xi32>
        %parallel_loop3A_321 = arith.andi %parallel_loop3A_318, %parallel_loop3A_320 : vector<16xi32>
        %parallel_loop3A_322 = arith.constant 1 : i32
        %parallel_loop3A_323 = vector.broadcast %parallel_loop3A_322 : i32 to vector<16xi32>
        %parallel_loop3A_324 = arith.shli %parallel_loop3A_321, %parallel_loop3A_323 : vector<16xi32>
        %parallel_loop3A_325 = vector.broadcast %parallel_loop3A_316 : i32 to vector<16xi32>
        %parallel_loop3A_326 = arith.addi %iota3A, %parallel_loop3A_325 : vector<16xi32>
        %parallel_loop3A_327 = tpu.vector_load_idx %arg16[%parallel_loop3A_326, %parallel_loop3A_324] : memref<1024x8xf32, #tpu.memory_space<vmem>>[vector<16xi32>, vector<16xi32>], vector<16xf32>,
        %parallel_loop3A_328 = arith.constant 1 : i32
        %parallel_loop3A_329 = vector.broadcast %parallel_loop3A_328 : i32 to vector<16xi32>
        %parallel_loop3A_330 = arith.addi %parallel_loop3A_324, %parallel_loop3A_329 : vector<16xi32>
        %parallel_loop3A_331 = tpu.vector_load_idx %arg16[%parallel_loop3A_326, %parallel_loop3A_330] : memref<1024x8xf32, #tpu.memory_space<vmem>>[vector<16xi32>, vector<16xi32>], vector<16xf32>,
        %parallel_loop3A_332 = arith.constant 16 : i32
        %parallel_loop3A_333 = arith.muli %parallel_loop3A_312, %parallel_loop3A_332 : i32
        %parallel_loop3A_334 = arith.constant 7 : i32
        %parallel_loop3A_335 = arith.index_cast %parallel_loop3A_334 : i32 to index
        %parallel_loop3A_336 = arith.index_cast %parallel_loop3A_333 : i32 to index
        %parallel_loop3A_337 = tpu.vector_load %arg17[%parallel_loop3A_335, %parallel_loop3A_336] {strides = array<i32>} : memref<8x256xf32, #tpu.memory_space<vmem>>, vector<16xf32>,
        tpu.vector_store %arg17[%parallel_loop3A_335, %parallel_loop3A_336], %parallel_loop3A_327 {strides = array<i32>} : memref<8x256xf32, #tpu.memory_space<vmem>>, vector<16xf32>,
        %parallel_loop3A_338 = arith.constant 16 : i32
        %parallel_loop3A_339 = arith.muli %parallel_loop3A_312, %parallel_loop3A_338 : i32
        %parallel_loop3A_340 = arith.constant 128 : i32
        %parallel_loop3A_341 = arith.addi %parallel_loop3A_340, %parallel_loop3A_339 : i32
        %parallel_loop3A_342 = arith.constant 7 : i32
        %parallel_loop3A_343 = arith.index_cast %parallel_loop3A_342 : i32 to index
        %parallel_loop3A_344 = arith.index_cast %parallel_loop3A_341 : i32 to index
        %parallel_loop3A_345 = tpu.vector_load %arg17[%parallel_loop3A_343, %parallel_loop3A_344] {strides = array<i32>} : memref<8x256xf32, #tpu.memory_space<vmem>>, vector<16xf32>,
        tpu.vector_store %arg17[%parallel_loop3A_343, %parallel_loop3A_344], %parallel_loop3A_331 {strides = array<i32>} : memref<8x256xf32, #tpu.memory_space<vmem>>, vector<16xf32>,
      } {sc.loop_unroll_factor = 4 : i64, sc.parallel_access}
      %mul3A_180 = arith.constant 2 : i32
      %mul3A_181 = arith.muli %mul3A_180, %scan3A_141 : i32
      %add3A_182 = arith.constant 0 : i32
      %add3A_183 = arith.addi %mul3A_181, %add3A_182 : i32
      %add3A_184 = arith.constant 2 : i32
      %add3A_185 = arith.addi %add3A_183, %add3A_184 : i32
      %lt3A = arith.constant 100 : i32
      %lt3A_186 = arith.cmpi slt, %add3A_185, %lt3A : i32
      %convert_element_type3A_187 = arith.extui %lt3A_186 : i1 to i32
      %cond3A_188 = arith.constant 0 : i32
      %cond3A_189 = arith.cmpi ne, %convert_element_type3A_187, %cond3A_188 : i32
      scf.if %cond3A_189 {
        %add3A_312 = arith.constant 2 : i32
        %add3A_313 = arith.addi %add3A_146, %add3A_312 : i32
        %mul3A_314 = arith.constant 1024 : i32
        %mul3A_315 = arith.muli %add3A_313, %mul3A_314 : i32
        "tpu.region"() ({
          %run_scoped3A = tpu.sem_alloc : memref<!tpu.dma_semaphore, #tpu.memory_space<semaphore_mem>>
          %dma_start3A_322 = tpu.memref_slice %arg2[%mul3A_315] : memref<3276800xi32, #tpu.memory_space<hbm>> -> memref<1024xi32, #tpu.memory_space<hbm>>
          %dma_start3A_323 = tpu.memref_slice %arg2[%mul3A_315] : memref<3276800xi32, #tpu.memory_space<hbm>> -> memref<1024xi32, #tpu.memory_space<hbm>>
          tpu.enqueue_dma source(%dma_start3A_323 : memref<1024xi32, #tpu.memory_space<hbm>>) target(%arg14 : memref<1024xi32, #tpu.memory_space<vmem>>) target_semaphore(%run_scoped3A : memref<!tpu.dma_semaphore, #tpu.memory_space<semaphore_mem>>)
          %dma_wait3A_324 = tpu.memref_slice %arg2[%mul3A_315] : memref<3276800xi32, #tpu.memory_space<hbm>> -> memref<1024xi32, #tpu.memory_space<hbm>>
          %dma_wait3A_325 = tpu.memref_slice %arg2[%mul3A_315] : memref<3276800xi32, #tpu.memory_space<hbm>> -> memref<1024xi32, #tpu.memory_space<hbm>>
          tpu.wait_dma2 semaphore(%run_scoped3A : memref<!tpu.dma_semaphore, #tpu.memory_space<semaphore_mem>>) src(%dma_wait3A_325 : memref<1024xi32, #tpu.memory_space<hbm>>) dst(%arg14 : memref<1024xi32, #tpu.memory_space<vmem>>)
          tpu.yield
        }) : () -> ()
        %parallel_loop3A_316 = arith.constant 0 : i32
        %parallel_loop3A_317 = arith.constant 64 : i32
        %parallel_loop3A_318 = arith.constant 1 : i32
        scf.for %parallel_loop3A_322 = %parallel_loop3A_316 to %parallel_loop3A_317 step %parallel_loop3A_318  : i32 {
          %parallel_loop3A_323 = arith.constant 16 : i32
          %parallel_loop3A_324 = arith.muli %parallel_loop3A_322, %parallel_loop3A_323 : i32
          %parallel_loop3A_325 = arith.index_cast %parallel_loop3A_324 : i32 to index
          %parallel_loop3A_326 = tpu.vector_load %arg14[%parallel_loop3A_325] {strides = array<i32>} : memref<1024xi32, #tpu.memory_space<vmem>>, vector<16xi32>,
          %parallel_loop3A_327 = arith.constant 2 : i32
          %parallel_loop3A_328 = vector.broadcast %parallel_loop3A_327 : i32 to vector<16xi32>
          %parallel_loop3A_329 = arith.shrui %parallel_loop3A_326, %parallel_loop3A_328 : vector<16xi32>
          %parallel_loop3A_330 = arith.constant 16 : i32
          %parallel_loop3A_331 = arith.muli %parallel_loop3A_322, %parallel_loop3A_330 : i32
          %parallel_loop3A_332 = arith.index_cast %parallel_loop3A_331 : i32 to index
          %parallel_loop3A_333 = tpu.vector_load %arg15[%parallel_loop3A_332] {strides = array<i32>} : memref<1024xi32, #tpu.memory_space<vmem>>, vector<16xi32>,
          tpu.vector_store %arg15[%parallel_loop3A_332], %parallel_loop3A_329 {strides = array<i32>} : memref<1024xi32, #tpu.memory_space<vmem>>, vector<16xi32>,
        } {sc.loop_unroll_factor = 4 : i64, sc.parallel_access}
        %dma_start3A_319 = arith.constant 0 : i32
        %dma_start3A_320 = arith.constant 0 : i32
        %dma_start3A_321 = tpu.memref_slice %arg5[%dma_start3A_319, %dma_start3A_320] : memref<262144x8xf32, #tpu.memory_space<hbm>> -> memref<262144x8xf32, #tpu.memory_space<hbm>>
        tpu.enqueue_indirect_dma source(%dma_start3A_321 : memref<262144x8xf32, #tpu.memory_space<hbm>>) target(%arg16 : memref<1024x8xf32, #tpu.memory_space<vmem>>) offsets(%arg15 : memref<1024xi32, #tpu.memory_space<vmem>>) semaphore(%arg18 : memref<!tpu.dma_semaphore, #tpu.memory_space<semaphore_mem>>)
      } else {
      }
      %jit3A_190 = arith.constant 128 : i32
      %div3A_191 = arith.divsi %add3A_146, %jit3A_190 : i32
      %sign3A_192 = arith.constant 0 : i32
      %sign3A_193 = arith.cmpi sgt, %add3A_146, %sign3A_192 : i32
      %sign3A_194 = arith.extui %sign3A_193 : i1 to i32
      %sign3A_195 = arith.constant 0 : i32
      %sign3A_196 = arith.cmpi slt, %add3A_146, %sign3A_195 : i32
      %sign3A_197 = arith.extui %sign3A_196 : i1 to i32
      %sign3A_198 = arith.subi %sign3A_194, %sign3A_197 : i32
      %sign3A_199 = arith.constant 0 : i32
      %sign3A_200 = arith.cmpi sgt, %jit3A_190, %sign3A_199 : i32
      %sign3A_201 = arith.extui %sign3A_200 : i1 to i32
      %sign3A_202 = arith.constant 0 : i32
      %sign3A_203 = arith.cmpi slt, %jit3A_190, %sign3A_202 : i32
      %sign3A_204 = arith.extui %sign3A_203 : i1 to i32
      %sign3A_205 = arith.subi %sign3A_201, %sign3A_204 : i32
      %ne3A_206 = arith.cmpi ne, %sign3A_198, %sign3A_205 : i32
      %rem3A_207 = arith.remsi %add3A_146, %jit3A_190 : i32
      %ne3A_208 = arith.constant 0 : i32
      %ne3A_209 = arith.cmpi ne, %rem3A_207, %ne3A_208 : i32
      %and3A_210 = arith.andi %ne3A_206, %ne3A_209 : i1
      %sub3A_211 = arith.constant 1 : i32
      %sub3A_212 = arith.subi %div3A_191, %sub3A_211 : i32
      %select_n3A_213 = arith.select %and3A_210, %sub3A_212, %div3A_191 : i32
      %mul3A_214 = arith.constant 128 : i32
      %mul3A_215 = arith.muli %select_n3A_213, %mul3A_214 : i32
      %sub3A_216 = arith.subi %add3A_146, %mul3A_215 : i32
      %mul3A_217 = arith.constant 8 : i32
      %mul3A_218 = arith.muli %select_n3A_213, %mul3A_217 : i32
      %mul3A_219 = arith.constant 2 : i32
      %mul3A_220 = arith.muli %sub3A_216, %mul3A_219 : i32
      %mul3A_221 = arith.constant 128 : i32
      %mul3A_222 = arith.muli %mul3A_220, %mul3A_221 : i32
      %dma_start3A_223 = tpu.memref_slice %arg4[%mul3A_218, %mul3A_222] : memref<200x32768xf32, #tpu.memory_space<hbm>> -> memref<8x256xf32, #tpu.memory_space<hbm>>
      %dma_start3A_224 = tpu.memref_slice %arg4[%mul3A_218, %mul3A_222] : memref<200x32768xf32, #tpu.memory_space<hbm>> -> memref<8x256xf32, #tpu.memory_space<hbm>>
      tpu.enqueue_dma source(%arg17 : memref<8x256xf32, #tpu.memory_space<vmem>>) target(%dma_start3A_224 : memref<8x256xf32, #tpu.memory_space<hbm>>) target_semaphore(%arg19 : memref<!tpu.dma_semaphore, #tpu.memory_space<semaphore_mem>>)
      %mul3A_225 = arith.constant 2 : i32
      %mul3A_226 = arith.muli %mul3A_225, %scan3A_141 : i32
      %add3A_227 = arith.addi %mul3A_2, %mul3A_226 : i32
      %add3A_228 = arith.constant 1 : i32
      %add3A_229 = arith.addi %add3A_227, %add3A_228 : i32
      %dma_wait3A_230 = arith.constant 0 : i32
      %dma_wait3A_231 = arith.constant 0 : i32
      %dma_wait3A_232 = tpu.memref_slice %arg5[%dma_wait3A_230, %dma_wait3A_231] : memref<262144x8xf32, #tpu.memory_space<hbm>> -> memref<262144x8xf32, #tpu.memory_space<hbm>>
      tpu.wait_indirect_dma semaphore(%arg24 : memref<!tpu.dma_semaphore, #tpu.memory_space<semaphore_mem>>) src(%dma_wait3A_232 : memref<262144x8xf32, #tpu.memory_space<hbm>>) dst(%arg22 : memref<1024x8xf32, #tpu.memory_space<vmem>>)
      %mul3A_233 = arith.constant 2 : i32
      %mul3A_234 = arith.muli %mul3A_233, %scan3A_141 : i32
      %add3A_235 = arith.constant 1 : i32
      %add3A_236 = arith.addi %mul3A_234, %add3A_235 : i32
      %ge3A_237 = arith.constant 2 : i32
      %ge3A_238 = arith.cmpi sge, %add3A_236, %ge3A_237 : i32
      %convert_element_type3A_239 = arith.extui %ge3A_238 : i1 to i32
      %cond3A_240 = arith.constant 0 : i32
      %cond3A_241 = arith.cmpi ne, %convert_element_type3A_239, %cond3A_240 : i32
      scf.if %cond3A_241 {
        %sub3A_312 = arith.constant 2 : i32
        %sub3A_313 = arith.subi %add3A_229, %sub3A_312 : i32
        %jit3A_314 = arith.constant 128 : i32
        %div3A_315 = arith.divsi %sub3A_313, %jit3A_314 : i32
        %sign3A_316 = arith.constant 0 : i32
        %sign3A_317 = arith.cmpi sgt, %sub3A_313, %sign3A_316 : i32
        %sign3A_318 = arith.extui %sign3A_317 : i1 to i32
        %sign3A_319 = arith.constant 0 : i32
        %sign3A_320 = arith.cmpi slt, %sub3A_313, %sign3A_319 : i32
        %sign3A_321 = arith.extui %sign3A_320 : i1 to i32
        %sign3A_322 = arith.subi %sign3A_318, %sign3A_321 : i32
        %sign3A_323 = arith.constant 0 : i32
        %sign3A_324 = arith.cmpi sgt, %jit3A_314, %sign3A_323 : i32
        %sign3A_325 = arith.extui %sign3A_324 : i1 to i32
        %sign3A_326 = arith.constant 0 : i32
        %sign3A_327 = arith.cmpi slt, %jit3A_314, %sign3A_326 : i32
        %sign3A_328 = arith.extui %sign3A_327 : i1 to i32
        %sign3A_329 = arith.subi %sign3A_325, %sign3A_328 : i32
        %ne3A_330 = arith.cmpi ne, %sign3A_322, %sign3A_329 : i32
        %rem3A_331 = arith.remsi %sub3A_313, %jit3A_314 : i32
        %ne3A_332 = arith.constant 0 : i32
        %ne3A_333 = arith.cmpi ne, %rem3A_331, %ne3A_332 : i32
        %and3A_334 = arith.andi %ne3A_330, %ne3A_333 : i1
        %sub3A_335 = arith.constant 1 : i32
        %sub3A_336 = arith.subi %div3A_315, %sub3A_335 : i32
        %select_n3A_337 = arith.select %and3A_334, %sub3A_336, %div3A_315 : i32
        %mul3A_338 = arith.constant 128 : i32
        %mul3A_339 = arith.muli %select_n3A_337, %mul3A_338 : i32
        %sub3A_340 = arith.subi %sub3A_313, %mul3A_339 : i32
        %mul3A_341 = arith.constant 8 : i32
        %mul3A_342 = arith.muli %select_n3A_337, %mul3A_341 : i32
        %mul3A_343 = arith.constant 2 : i32
        %mul3A_344 = arith.muli %sub3A_340, %mul3A_343 : i32
        %mul3A_345 = arith.constant 128 : i32
        %mul3A_346 = arith.muli %mul3A_344, %mul3A_345 : i32
        %dma_wait3A_347 = tpu.memref_slice %arg4[%mul3A_342, %mul3A_346] : memref<200x32768xf32, #tpu.memory_space<hbm>> -> memref<8x256xf32, #tpu.memory_space<hbm>>
        %dma_wait3A_348 = tpu.memref_slice %arg4[%mul3A_342, %mul3A_346] : memref<200x32768xf32, #tpu.memory_space<hbm>> -> memref<8x256xf32, #tpu.memory_space<hbm>>
        tpu.wait_dma2 semaphore(%arg25 : memref<!tpu.dma_semaphore, #tpu.memory_space<semaphore_mem>>) src(%arg23 : memref<8x256xf32, #tpu.memory_space<vmem>>) dst(%dma_wait3A_348 : memref<8x256xf32, #tpu.memory_space<hbm>>)
      } else {
      }
      %parallel_loop3A_242 = arith.constant 0 : i32
      %parallel_loop3A_243 = arith.constant 8 : i32
      %parallel_loop3A_244 = arith.constant 1 : i32
      scf.for %parallel_loop3A_312 = %parallel_loop3A_242 to %parallel_loop3A_243 step %parallel_loop3A_244  : i32 {
        %parallel_loop3A_313 = arith.constant 16 : i32
        %parallel_loop3A_314 = arith.muli %parallel_loop3A_312, %parallel_loop3A_313 : i32
        %parallel_loop3A_315 = arith.constant 0 : i32
        %parallel_loop3A_316 = arith.addi %parallel_loop3A_315, %parallel_loop3A_314 : i32
        %parallel_loop3A_317 = arith.index_cast %parallel_loop3A_316 : i32 to index
        %parallel_loop3A_318 = tpu.vector_load %arg20[%parallel_loop3A_317] {strides = array<i32>} : memref<1024xi32, #tpu.memory_space<vmem>>, vector<16xi32>,
        %parallel_loop3A_319 = arith.constant 3 : i32
        %parallel_loop3A_320 = vector.broadcast %parallel_loop3A_319 : i32 to vector<16xi32>
        %parallel_loop3A_321 = arith.andi %parallel_loop3A_318, %parallel_loop3A_320 : vector<16xi32>
        %parallel_loop3A_322 = arith.constant 1 : i32
        %parallel_loop3A_323 = vector.broadcast %parallel_loop3A_322 : i32 to vector<16xi32>
        %parallel_loop3A_324 = arith.shli %parallel_loop3A_321, %parallel_loop3A_323 : vector<16xi32>
        %parallel_loop3A_325 = vector.broadcast %parallel_loop3A_316 : i32 to vector<16xi32>
        %parallel_loop3A_326 = arith.addi %iota3A, %parallel_loop3A_325 : vector<16xi32>
        %parallel_loop3A_327 = tpu.vector_load_idx %arg22[%parallel_loop3A_326, %parallel_loop3A_324] : memref<1024x8xf32, #tpu.memory_space<vmem>>[vector<16xi32>, vector<16xi32>], vector<16xf32>,
        %parallel_loop3A_328 = arith.constant 1 : i32
        %parallel_loop3A_329 = vector.broadcast %parallel_loop3A_328 : i32 to vector<16xi32>
        %parallel_loop3A_330 = arith.addi %parallel_loop3A_324, %parallel_loop3A_329 : vector<16xi32>
        %parallel_loop3A_331 = tpu.vector_load_idx %arg22[%parallel_loop3A_326, %parallel_loop3A_330] : memref<1024x8xf32, #tpu.memory_space<vmem>>[vector<16xi32>, vector<16xi32>], vector<16xf32>,
        %parallel_loop3A_332 = arith.constant 16 : i32
        %parallel_loop3A_333 = arith.muli %parallel_loop3A_312, %parallel_loop3A_332 : i32
        %parallel_loop3A_334 = arith.constant 0 : i32
        %parallel_loop3A_335 = arith.index_cast %parallel_loop3A_334 : i32 to index
        %parallel_loop3A_336 = arith.index_cast %parallel_loop3A_333 : i32 to index
        %parallel_loop3A_337 = tpu.vector_load %arg23[%parallel_loop3A_335, %parallel_loop3A_336] {strides = array<i32>} : memref<8x256xf32, #tpu.memory_space<vmem>>, vector<16xf32>,
        tpu.vector_store %arg23[%parallel_loop3A_335, %parallel_loop3A_336], %parallel_loop3A_327 {strides = array<i32>} : memref<8x256xf32, #tpu.memory_space<vmem>>, vector<16xf32>,
        %parallel_loop3A_338 = arith.constant 16 : i32
        %parallel_loop3A_339 = arith.muli %parallel_loop3A_312, %parallel_loop3A_338 : i32
        %parallel_loop3A_340 = arith.constant 128 : i32
        %parallel_loop3A_341 = arith.addi %parallel_loop3A_340, %parallel_loop3A_339 : i32
        %parallel_loop3A_342 = arith.constant 0 : i32
        %parallel_loop3A_343 = arith.index_cast %parallel_loop3A_342 : i32 to index
        %parallel_loop3A_344 = arith.index_cast %parallel_loop3A_341 : i32 to index
        %parallel_loop3A_345 = tpu.vector_load %arg23[%parallel_loop3A_343, %parallel_loop3A_344] {strides = array<i32>} : memref<8x256xf32, #tpu.memory_space<vmem>>, vector<16xf32>,
        tpu.vector_store %arg23[%parallel_loop3A_343, %parallel_loop3A_344], %parallel_loop3A_331 {strides = array<i32>} : memref<8x256xf32, #tpu.memory_space<vmem>>, vector<16xf32>,
      } {sc.loop_unroll_factor = 4 : i64, sc.parallel_access}
      %parallel_loop3A_245 = arith.constant 0 : i32
      %parallel_loop3A_246 = arith.constant 8 : i32
      %parallel_loop3A_247 = arith.constant 1 : i32
      scf.for %parallel_loop3A_312 = %parallel_loop3A_245 to %parallel_loop3A_246 step %parallel_loop3A_247  : i32 {
        %parallel_loop3A_313 = arith.constant 16 : i32
        %parallel_loop3A_314 = arith.muli %parallel_loop3A_312, %parallel_loop3A_313 : i32
        %parallel_loop3A_315 = arith.constant 128 : i32
        %parallel_loop3A_316 = arith.addi %parallel_loop3A_315, %parallel_loop3A_314 : i32
        %parallel_loop3A_317 = arith.index_cast %parallel_loop3A_316 : i32 to index
        %parallel_loop3A_318 = tpu.vector_load %arg20[%parallel_loop3A_317] {strides = array<i32>} : memref<1024xi32, #tpu.memory_space<vmem>>, vector<16xi32>,
        %parallel_loop3A_319 = arith.constant 3 : i32
        %parallel_loop3A_320 = vector.broadcast %parallel_loop3A_319 : i32 to vector<16xi32>
        %parallel_loop3A_321 = arith.andi %parallel_loop3A_318, %parallel_loop3A_320 : vector<16xi32>
        %parallel_loop3A_322 = arith.constant 1 : i32
        %parallel_loop3A_323 = vector.broadcast %parallel_loop3A_322 : i32 to vector<16xi32>
        %parallel_loop3A_324 = arith.shli %parallel_loop3A_321, %parallel_loop3A_323 : vector<16xi32>
        %parallel_loop3A_325 = vector.broadcast %parallel_loop3A_316 : i32 to vector<16xi32>
        %parallel_loop3A_326 = arith.addi %iota3A, %parallel_loop3A_325 : vector<16xi32>
        %parallel_loop3A_327 = tpu.vector_load_idx %arg22[%parallel_loop3A_326, %parallel_loop3A_324] : memref<1024x8xf32, #tpu.memory_space<vmem>>[vector<16xi32>, vector<16xi32>], vector<16xf32>,
        %parallel_loop3A_328 = arith.constant 1 : i32
        %parallel_loop3A_329 = vector.broadcast %parallel_loop3A_328 : i32 to vector<16xi32>
        %parallel_loop3A_330 = arith.addi %parallel_loop3A_324, %parallel_loop3A_329 : vector<16xi32>
        %parallel_loop3A_331 = tpu.vector_load_idx %arg22[%parallel_loop3A_326, %parallel_loop3A_330] : memref<1024x8xf32, #tpu.memory_space<vmem>>[vector<16xi32>, vector<16xi32>], vector<16xf32>,
        %parallel_loop3A_332 = arith.constant 16 : i32
        %parallel_loop3A_333 = arith.muli %parallel_loop3A_312, %parallel_loop3A_332 : i32
        %parallel_loop3A_334 = arith.constant 1 : i32
        %parallel_loop3A_335 = arith.index_cast %parallel_loop3A_334 : i32 to index
        %parallel_loop3A_336 = arith.index_cast %parallel_loop3A_333 : i32 to index
        %parallel_loop3A_337 = tpu.vector_load %arg23[%parallel_loop3A_335, %parallel_loop3A_336] {strides = array<i32>} : memref<8x256xf32, #tpu.memory_space<vmem>>, vector<16xf32>,
        tpu.vector_store %arg23[%parallel_loop3A_335, %parallel_loop3A_336], %parallel_loop3A_327 {strides = array<i32>} : memref<8x256xf32, #tpu.memory_space<vmem>>, vector<16xf32>,
        %parallel_loop3A_338 = arith.constant 16 : i32
        %parallel_loop3A_339 = arith.muli %parallel_loop3A_312, %parallel_loop3A_338 : i32
        %parallel_loop3A_340 = arith.constant 128 : i32
        %parallel_loop3A_341 = arith.addi %parallel_loop3A_340, %parallel_loop3A_339 : i32
        %parallel_loop3A_342 = arith.constant 1 : i32
        %parallel_loop3A_343 = arith.index_cast %parallel_loop3A_342 : i32 to index
        %parallel_loop3A_344 = arith.index_cast %parallel_loop3A_341 : i32 to index
        %parallel_loop3A_345 = tpu.vector_load %arg23[%parallel_loop3A_343, %parallel_loop3A_344] {strides = array<i32>} : memref<8x256xf32, #tpu.memory_space<vmem>>, vector<16xf32>,
        tpu.vector_store %arg23[%parallel_loop3A_343, %parallel_loop3A_344], %parallel_loop3A_331 {strides = array<i32>} : memref<8x256xf32, #tpu.memory_space<vmem>>, vector<16xf32>,
      } {sc.loop_unroll_factor = 4 : i64, sc.parallel_access}
      %parallel_loop3A_248 = arith.constant 0 : i32
      %parallel_loop3A_249 = arith.constant 8 : i32
      %parallel_loop3A_250 = arith.constant 1 : i32
      scf.for %parallel_loop3A_312 = %parallel_loop3A_248 to %parallel_loop3A_249 step %parallel_loop3A_250  : i32 {
        %parallel_loop3A_313 = arith.constant 16 : i32
        %parallel_loop3A_314 = arith.muli %parallel_loop3A_312, %parallel_loop3A_313 : i32
        %parallel_loop3A_315 = arith.constant 256 : i32
        %parallel_loop3A_316 = arith.addi %parallel_loop3A_315, %parallel_loop3A_314 : i32
        %parallel_loop3A_317 = arith.index_cast %parallel_loop3A_316 : i32 to index
        %parallel_loop3A_318 = tpu.vector_load %arg20[%parallel_loop3A_317] {strides = array<i32>} : memref<1024xi32, #tpu.memory_space<vmem>>, vector<16xi32>,
        %parallel_loop3A_319 = arith.constant 3 : i32
        %parallel_loop3A_320 = vector.broadcast %parallel_loop3A_319 : i32 to vector<16xi32>
        %parallel_loop3A_321 = arith.andi %parallel_loop3A_318, %parallel_loop3A_320 : vector<16xi32>
        %parallel_loop3A_322 = arith.constant 1 : i32
        %parallel_loop3A_323 = vector.broadcast %parallel_loop3A_322 : i32 to vector<16xi32>
        %parallel_loop3A_324 = arith.shli %parallel_loop3A_321, %parallel_loop3A_323 : vector<16xi32>
        %parallel_loop3A_325 = vector.broadcast %parallel_loop3A_316 : i32 to vector<16xi32>
        %parallel_loop3A_326 = arith.addi %iota3A, %parallel_loop3A_325 : vector<16xi32>
        %parallel_loop3A_327 = tpu.vector_load_idx %arg22[%parallel_loop3A_326, %parallel_loop3A_324] : memref<1024x8xf32, #tpu.memory_space<vmem>>[vector<16xi32>, vector<16xi32>], vector<16xf32>,
        %parallel_loop3A_328 = arith.constant 1 : i32
        %parallel_loop3A_329 = vector.broadcast %parallel_loop3A_328 : i32 to vector<16xi32>
        %parallel_loop3A_330 = arith.addi %parallel_loop3A_324, %parallel_loop3A_329 : vector<16xi32>
        %parallel_loop3A_331 = tpu.vector_load_idx %arg22[%parallel_loop3A_326, %parallel_loop3A_330] : memref<1024x8xf32, #tpu.memory_space<vmem>>[vector<16xi32>, vector<16xi32>], vector<16xf32>,
        %parallel_loop3A_332 = arith.constant 16 : i32
        %parallel_loop3A_333 = arith.muli %parallel_loop3A_312, %parallel_loop3A_332 : i32
        %parallel_loop3A_334 = arith.constant 2 : i32
        %parallel_loop3A_335 = arith.index_cast %parallel_loop3A_334 : i32 to index
        %parallel_loop3A_336 = arith.index_cast %parallel_loop3A_333 : i32 to index
        %parallel_loop3A_337 = tpu.vector_load %arg23[%parallel_loop3A_335, %parallel_loop3A_336] {strides = array<i32>} : memref<8x256xf32, #tpu.memory_space<vmem>>, vector<16xf32>,
        tpu.vector_store %arg23[%parallel_loop3A_335, %parallel_loop3A_336], %parallel_loop3A_327 {strides = array<i32>} : memref<8x256xf32, #tpu.memory_space<vmem>>, vector<16xf32>,
        %parallel_loop3A_338 = arith.constant 16 : i32
        %parallel_loop3A_339 = arith.muli %parallel_loop3A_312, %parallel_loop3A_338 : i32
        %parallel_loop3A_340 = arith.constant 128 : i32
        %parallel_loop3A_341 = arith.addi %parallel_loop3A_340, %parallel_loop3A_339 : i32
        %parallel_loop3A_342 = arith.constant 2 : i32
        %parallel_loop3A_343 = arith.index_cast %parallel_loop3A_342 : i32 to index
        %parallel_loop3A_344 = arith.index_cast %parallel_loop3A_341 : i32 to index
        %parallel_loop3A_345 = tpu.vector_load %arg23[%parallel_loop3A_343, %parallel_loop3A_344] {strides = array<i32>} : memref<8x256xf32, #tpu.memory_space<vmem>>, vector<16xf32>,
        tpu.vector_store %arg23[%parallel_loop3A_343, %parallel_loop3A_344], %parallel_loop3A_331 {strides = array<i32>} : memref<8x256xf32, #tpu.memory_space<vmem>>, vector<16xf32>,
      } {sc.loop_unroll_factor = 4 : i64, sc.parallel_access}
      %parallel_loop3A_251 = arith.constant 0 : i32
      %parallel_loop3A_252 = arith.constant 8 : i32
      %parallel_loop3A_253 = arith.constant 1 : i32
      scf.for %parallel_loop3A_312 = %parallel_loop3A_251 to %parallel_loop3A_252 step %parallel_loop3A_253  : i32 {
        %parallel_loop3A_313 = arith.constant 16 : i32
        %parallel_loop3A_314 = arith.muli %parallel_loop3A_312, %parallel_loop3A_313 : i32
        %parallel_loop3A_315 = arith.constant 384 : i32
        %parallel_loop3A_316 = arith.addi %parallel_loop3A_315, %parallel_loop3A_314 : i32
        %parallel_loop3A_317 = arith.index_cast %parallel_loop3A_316 : i32 to index
        %parallel_loop3A_318 = tpu.vector_load %arg20[%parallel_loop3A_317] {strides = array<i32>} : memref<1024xi32, #tpu.memory_space<vmem>>, vector<16xi32>,
        %parallel_loop3A_319 = arith.constant 3 : i32
        %parallel_loop3A_320 = vector.broadcast %parallel_loop3A_319 : i32 to vector<16xi32>
        %parallel_loop3A_321 = arith.andi %parallel_loop3A_318, %parallel_loop3A_320 : vector<16xi32>
        %parallel_loop3A_322 = arith.constant 1 : i32
        %parallel_loop3A_323 = vector.broadcast %parallel_loop3A_322 : i32 to vector<16xi32>
        %parallel_loop3A_324 = arith.shli %parallel_loop3A_321, %parallel_loop3A_323 : vector<16xi32>
        %parallel_loop3A_325 = vector.broadcast %parallel_loop3A_316 : i32 to vector<16xi32>
        %parallel_loop3A_326 = arith.addi %iota3A, %parallel_loop3A_325 : vector<16xi32>
        %parallel_loop3A_327 = tpu.vector_load_idx %arg22[%parallel_loop3A_326, %parallel_loop3A_324] : memref<1024x8xf32, #tpu.memory_space<vmem>>[vector<16xi32>, vector<16xi32>], vector<16xf32>,
        %parallel_loop3A_328 = arith.constant 1 : i32
        %parallel_loop3A_329 = vector.broadcast %parallel_loop3A_328 : i32 to vector<16xi32>
        %parallel_loop3A_330 = arith.addi %parallel_loop3A_324, %parallel_loop3A_329 : vector<16xi32>
        %parallel_loop3A_331 = tpu.vector_load_idx %arg22[%parallel_loop3A_326, %parallel_loop3A_330] : memref<1024x8xf32, #tpu.memory_space<vmem>>[vector<16xi32>, vector<16xi32>], vector<16xf32>,
        %parallel_loop3A_332 = arith.constant 16 : i32
        %parallel_loop3A_333 = arith.muli %parallel_loop3A_312, %parallel_loop3A_332 : i32
        %parallel_loop3A_334 = arith.constant 3 : i32
        %parallel_loop3A_335 = arith.index_cast %parallel_loop3A_334 : i32 to index
        %parallel_loop3A_336 = arith.index_cast %parallel_loop3A_333 : i32 to index
        %parallel_loop3A_337 = tpu.vector_load %arg23[%parallel_loop3A_335, %parallel_loop3A_336] {strides = array<i32>} : memref<8x256xf32, #tpu.memory_space<vmem>>, vector<16xf32>,
        tpu.vector_store %arg23[%parallel_loop3A_335, %parallel_loop3A_336], %parallel_loop3A_327 {strides = array<i32>} : memref<8x256xf32, #tpu.memory_space<vmem>>, vector<16xf32>,
        %parallel_loop3A_338 = arith.constant 16 : i32
        %parallel_loop3A_339 = arith.muli %parallel_loop3A_312, %parallel_loop3A_338 : i32
        %parallel_loop3A_340 = arith.constant 128 : i32
        %parallel_loop3A_341 = arith.addi %parallel_loop3A_340, %parallel_loop3A_339 : i32
        %parallel_loop3A_342 = arith.constant 3 : i32
        %parallel_loop3A_343 = arith.index_cast %parallel_loop3A_342 : i32 to index
        %parallel_loop3A_344 = arith.index_cast %parallel_loop3A_341 : i32 to index
        %parallel_loop3A_345 = tpu.vector_load %arg23[%parallel_loop3A_343, %parallel_loop3A_344] {strides = array<i32>} : memref<8x256xf32, #tpu.memory_space<vmem>>, vector<16xf32>,
        tpu.vector_store %arg23[%parallel_loop3A_343, %parallel_loop3A_344], %parallel_loop3A_331 {strides = array<i32>} : memref<8x256xf32, #tpu.memory_space<vmem>>, vector<16xf32>,
      } {sc.loop_unroll_factor = 4 : i64, sc.parallel_access}
      %parallel_loop3A_254 = arith.constant 0 : i32
      %parallel_loop3A_255 = arith.constant 8 : i32
      %parallel_loop3A_256 = arith.constant 1 : i32
      scf.for %parallel_loop3A_312 = %parallel_loop3A_254 to %parallel_loop3A_255 step %parallel_loop3A_256  : i32 {
        %parallel_loop3A_313 = arith.constant 16 : i32
        %parallel_loop3A_314 = arith.muli %parallel_loop3A_312, %parallel_loop3A_313 : i32
        %parallel_loop3A_315 = arith.constant 512 : i32
        %parallel_loop3A_316 = arith.addi %parallel_loop3A_315, %parallel_loop3A_314 : i32
        %parallel_loop3A_317 = arith.index_cast %parallel_loop3A_316 : i32 to index
        %parallel_loop3A_318 = tpu.vector_load %arg20[%parallel_loop3A_317] {strides = array<i32>} : memref<1024xi32, #tpu.memory_space<vmem>>, vector<16xi32>,
        %parallel_loop3A_319 = arith.constant 3 : i32
        %parallel_loop3A_320 = vector.broadcast %parallel_loop3A_319 : i32 to vector<16xi32>
        %parallel_loop3A_321 = arith.andi %parallel_loop3A_318, %parallel_loop3A_320 : vector<16xi32>
        %parallel_loop3A_322 = arith.constant 1 : i32
        %parallel_loop3A_323 = vector.broadcast %parallel_loop3A_322 : i32 to vector<16xi32>
        %parallel_loop3A_324 = arith.shli %parallel_loop3A_321, %parallel_loop3A_323 : vector<16xi32>
        %parallel_loop3A_325 = vector.broadcast %parallel_loop3A_316 : i32 to vector<16xi32>
        %parallel_loop3A_326 = arith.addi %iota3A, %parallel_loop3A_325 : vector<16xi32>
        %parallel_loop3A_327 = tpu.vector_load_idx %arg22[%parallel_loop3A_326, %parallel_loop3A_324] : memref<1024x8xf32, #tpu.memory_space<vmem>>[vector<16xi32>, vector<16xi32>], vector<16xf32>,
        %parallel_loop3A_328 = arith.constant 1 : i32
        %parallel_loop3A_329 = vector.broadcast %parallel_loop3A_328 : i32 to vector<16xi32>
        %parallel_loop3A_330 = arith.addi %parallel_loop3A_324, %parallel_loop3A_329 : vector<16xi32>
        %parallel_loop3A_331 = tpu.vector_load_idx %arg22[%parallel_loop3A_326, %parallel_loop3A_330] : memref<1024x8xf32, #tpu.memory_space<vmem>>[vector<16xi32>, vector<16xi32>], vector<16xf32>,
        %parallel_loop3A_332 = arith.constant 16 : i32
        %parallel_loop3A_333 = arith.muli %parallel_loop3A_312, %parallel_loop3A_332 : i32
        %parallel_loop3A_334 = arith.constant 4 : i32
        %parallel_loop3A_335 = arith.index_cast %parallel_loop3A_334 : i32 to index
        %parallel_loop3A_336 = arith.index_cast %parallel_loop3A_333 : i32 to index
        %parallel_loop3A_337 = tpu.vector_load %arg23[%parallel_loop3A_335, %parallel_loop3A_336] {strides = array<i32>} : memref<8x256xf32, #tpu.memory_space<vmem>>, vector<16xf32>,
        tpu.vector_store %arg23[%parallel_loop3A_335, %parallel_loop3A_336], %parallel_loop3A_327 {strides = array<i32>} : memref<8x256xf32, #tpu.memory_space<vmem>>, vector<16xf32>,
        %parallel_loop3A_338 = arith.constant 16 : i32
        %parallel_loop3A_339 = arith.muli %parallel_loop3A_312, %parallel_loop3A_338 : i32
        %parallel_loop3A_340 = arith.constant 128 : i32
        %parallel_loop3A_341 = arith.addi %parallel_loop3A_340, %parallel_loop3A_339 : i32
        %parallel_loop3A_342 = arith.constant 4 : i32
        %parallel_loop3A_343 = arith.index_cast %parallel_loop3A_342 : i32 to index
        %parallel_loop3A_344 = arith.index_cast %parallel_loop3A_341 : i32 to index
        %parallel_loop3A_345 = tpu.vector_load %arg23[%parallel_loop3A_343, %parallel_loop3A_344] {strides = array<i32>} : memref<8x256xf32, #tpu.memory_space<vmem>>, vector<16xf32>,
        tpu.vector_store %arg23[%parallel_loop3A_343, %parallel_loop3A_344], %parallel_loop3A_331 {strides = array<i32>} : memref<8x256xf32, #tpu.memory_space<vmem>>, vector<16xf32>,
      } {sc.loop_unroll_factor = 4 : i64, sc.parallel_access}
      %parallel_loop3A_257 = arith.constant 0 : i32
      %parallel_loop3A_258 = arith.constant 8 : i32
      %parallel_loop3A_259 = arith.constant 1 : i32
      scf.for %parallel_loop3A_312 = %parallel_loop3A_257 to %parallel_loop3A_258 step %parallel_loop3A_259  : i32 {
        %parallel_loop3A_313 = arith.constant 16 : i32
        %parallel_loop3A_314 = arith.muli %parallel_loop3A_312, %parallel_loop3A_313 : i32
        %parallel_loop3A_315 = arith.constant 640 : i32
        %parallel_loop3A_316 = arith.addi %parallel_loop3A_315, %parallel_loop3A_314 : i32
        %parallel_loop3A_317 = arith.index_cast %parallel_loop3A_316 : i32 to index
        %parallel_loop3A_318 = tpu.vector_load %arg20[%parallel_loop3A_317] {strides = array<i32>} : memref<1024xi32, #tpu.memory_space<vmem>>, vector<16xi32>,
        %parallel_loop3A_319 = arith.constant 3 : i32
        %parallel_loop3A_320 = vector.broadcast %parallel_loop3A_319 : i32 to vector<16xi32>
        %parallel_loop3A_321 = arith.andi %parallel_loop3A_318, %parallel_loop3A_320 : vector<16xi32>
        %parallel_loop3A_322 = arith.constant 1 : i32
        %parallel_loop3A_323 = vector.broadcast %parallel_loop3A_322 : i32 to vector<16xi32>
        %parallel_loop3A_324 = arith.shli %parallel_loop3A_321, %parallel_loop3A_323 : vector<16xi32>
        %parallel_loop3A_325 = vector.broadcast %parallel_loop3A_316 : i32 to vector<16xi32>
        %parallel_loop3A_326 = arith.addi %iota3A, %parallel_loop3A_325 : vector<16xi32>
        %parallel_loop3A_327 = tpu.vector_load_idx %arg22[%parallel_loop3A_326, %parallel_loop3A_324] : memref<1024x8xf32, #tpu.memory_space<vmem>>[vector<16xi32>, vector<16xi32>], vector<16xf32>,
        %parallel_loop3A_328 = arith.constant 1 : i32
        %parallel_loop3A_329 = vector.broadcast %parallel_loop3A_328 : i32 to vector<16xi32>
        %parallel_loop3A_330 = arith.addi %parallel_loop3A_324, %parallel_loop3A_329 : vector<16xi32>
        %parallel_loop3A_331 = tpu.vector_load_idx %arg22[%parallel_loop3A_326, %parallel_loop3A_330] : memref<1024x8xf32, #tpu.memory_space<vmem>>[vector<16xi32>, vector<16xi32>], vector<16xf32>,
        %parallel_loop3A_332 = arith.constant 16 : i32
        %parallel_loop3A_333 = arith.muli %parallel_loop3A_312, %parallel_loop3A_332 : i32
        %parallel_loop3A_334 = arith.constant 5 : i32
        %parallel_loop3A_335 = arith.index_cast %parallel_loop3A_334 : i32 to index
        %parallel_loop3A_336 = arith.index_cast %parallel_loop3A_333 : i32 to index
        %parallel_loop3A_337 = tpu.vector_load %arg23[%parallel_loop3A_335, %parallel_loop3A_336] {strides = array<i32>} : memref<8x256xf32, #tpu.memory_space<vmem>>, vector<16xf32>,
        tpu.vector_store %arg23[%parallel_loop3A_335, %parallel_loop3A_336], %parallel_loop3A_327 {strides = array<i32>} : memref<8x256xf32, #tpu.memory_space<vmem>>, vector<16xf32>,
        %parallel_loop3A_338 = arith.constant 16 : i32
        %parallel_loop3A_339 = arith.muli %parallel_loop3A_312, %parallel_loop3A_338 : i32
        %parallel_loop3A_340 = arith.constant 128 : i32
        %parallel_loop3A_341 = arith.addi %parallel_loop3A_340, %parallel_loop3A_339 : i32
        %parallel_loop3A_342 = arith.constant 5 : i32
        %parallel_loop3A_343 = arith.index_cast %parallel_loop3A_342 : i32 to index
        %parallel_loop3A_344 = arith.index_cast %parallel_loop3A_341 : i32 to index
        %parallel_loop3A_345 = tpu.vector_load %arg23[%parallel_loop3A_343, %parallel_loop3A_344] {strides = array<i32>} : memref<8x256xf32, #tpu.memory_space<vmem>>, vector<16xf32>,
        tpu.vector_store %arg23[%parallel_loop3A_343, %parallel_loop3A_344], %parallel_loop3A_331 {strides = array<i32>} : memref<8x256xf32, #tpu.memory_space<vmem>>, vector<16xf32>,
      } {sc.loop_unroll_factor = 4 : i64, sc.parallel_access}
      %parallel_loop3A_260 = arith.constant 0 : i32
      %parallel_loop3A_261 = arith.constant 8 : i32
      %parallel_loop3A_262 = arith.constant 1 : i32
      scf.for %parallel_loop3A_312 = %parallel_loop3A_260 to %parallel_loop3A_261 step %parallel_loop3A_262  : i32 {
        %parallel_loop3A_313 = arith.constant 16 : i32
        %parallel_loop3A_314 = arith.muli %parallel_loop3A_312, %parallel_loop3A_313 : i32
        %parallel_loop3A_315 = arith.constant 768 : i32
        %parallel_loop3A_316 = arith.addi %parallel_loop3A_315, %parallel_loop3A_314 : i32
        %parallel_loop3A_317 = arith.index_cast %parallel_loop3A_316 : i32 to index
        %parallel_loop3A_318 = tpu.vector_load %arg20[%parallel_loop3A_317] {strides = array<i32>} : memref<1024xi32, #tpu.memory_space<vmem>>, vector<16xi32>,
        %parallel_loop3A_319 = arith.constant 3 : i32
        %parallel_loop3A_320 = vector.broadcast %parallel_loop3A_319 : i32 to vector<16xi32>
        %parallel_loop3A_321 = arith.andi %parallel_loop3A_318, %parallel_loop3A_320 : vector<16xi32>
        %parallel_loop3A_322 = arith.constant 1 : i32
        %parallel_loop3A_323 = vector.broadcast %parallel_loop3A_322 : i32 to vector<16xi32>
        %parallel_loop3A_324 = arith.shli %parallel_loop3A_321, %parallel_loop3A_323 : vector<16xi32>
        %parallel_loop3A_325 = vector.broadcast %parallel_loop3A_316 : i32 to vector<16xi32>
        %parallel_loop3A_326 = arith.addi %iota3A, %parallel_loop3A_325 : vector<16xi32>
        %parallel_loop3A_327 = tpu.vector_load_idx %arg22[%parallel_loop3A_326, %parallel_loop3A_324] : memref<1024x8xf32, #tpu.memory_space<vmem>>[vector<16xi32>, vector<16xi32>], vector<16xf32>,
        %parallel_loop3A_328 = arith.constant 1 : i32
        %parallel_loop3A_329 = vector.broadcast %parallel_loop3A_328 : i32 to vector<16xi32>
        %parallel_loop3A_330 = arith.addi %parallel_loop3A_324, %parallel_loop3A_329 : vector<16xi32>
        %parallel_loop3A_331 = tpu.vector_load_idx %arg22[%parallel_loop3A_326, %parallel_loop3A_330] : memref<1024x8xf32, #tpu.memory_space<vmem>>[vector<16xi32>, vector<16xi32>], vector<16xf32>,
        %parallel_loop3A_332 = arith.constant 16 : i32
        %parallel_loop3A_333 = arith.muli %parallel_loop3A_312, %parallel_loop3A_332 : i32
        %parallel_loop3A_334 = arith.constant 6 : i32
        %parallel_loop3A_335 = arith.index_cast %parallel_loop3A_334 : i32 to index
        %parallel_loop3A_336 = arith.index_cast %parallel_loop3A_333 : i32 to index
        %parallel_loop3A_337 = tpu.vector_load %arg23[%parallel_loop3A_335, %parallel_loop3A_336] {strides = array<i32>} : memref<8x256xf32, #tpu.memory_space<vmem>>, vector<16xf32>,
        tpu.vector_store %arg23[%parallel_loop3A_335, %parallel_loop3A_336], %parallel_loop3A_327 {strides = array<i32>} : memref<8x256xf32, #tpu.memory_space<vmem>>, vector<16xf32>,
        %parallel_loop3A_338 = arith.constant 16 : i32
        %parallel_loop3A_339 = arith.muli %parallel_loop3A_312, %parallel_loop3A_338 : i32
        %parallel_loop3A_340 = arith.constant 128 : i32
        %parallel_loop3A_341 = arith.addi %parallel_loop3A_340, %parallel_loop3A_339 : i32
        %parallel_loop3A_342 = arith.constant 6 : i32
        %parallel_loop3A_343 = arith.index_cast %parallel_loop3A_342 : i32 to index
        %parallel_loop3A_344 = arith.index_cast %parallel_loop3A_341 : i32 to index
        %parallel_loop3A_345 = tpu.vector_load %arg23[%parallel_loop3A_343, %parallel_loop3A_344] {strides = array<i32>} : memref<8x256xf32, #tpu.memory_space<vmem>>, vector<16xf32>,
        tpu.vector_store %arg23[%parallel_loop3A_343, %parallel_loop3A_344], %parallel_loop3A_331 {strides = array<i32>} : memref<8x256xf32, #tpu.memory_space<vmem>>, vector<16xf32>,
      } {sc.loop_unroll_factor = 4 : i64, sc.parallel_access}
      %parallel_loop3A_263 = arith.constant 0 : i32
      %parallel_loop3A_264 = arith.constant 8 : i32
      %parallel_loop3A_265 = arith.constant 1 : i32
      scf.for %parallel_loop3A_312 = %parallel_loop3A_263 to %parallel_loop3A_264 step %parallel_loop3A_265  : i32 {
        %parallel_loop3A_313 = arith.constant 16 : i32
        %parallel_loop3A_314 = arith.muli %parallel_loop3A_312, %parallel_loop3A_313 : i32
        %parallel_loop3A_315 = arith.constant 896 : i32
        %parallel_loop3A_316 = arith.addi %parallel_loop3A_315, %parallel_loop3A_314 : i32
        %parallel_loop3A_317 = arith.index_cast %parallel_loop3A_316 : i32 to index
        %parallel_loop3A_318 = tpu.vector_load %arg20[%parallel_loop3A_317] {strides = array<i32>} : memref<1024xi32, #tpu.memory_space<vmem>>, vector<16xi32>,
        %parallel_loop3A_319 = arith.constant 3 : i32
        %parallel_loop3A_320 = vector.broadcast %parallel_loop3A_319 : i32 to vector<16xi32>
        %parallel_loop3A_321 = arith.andi %parallel_loop3A_318, %parallel_loop3A_320 : vector<16xi32>
        %parallel_loop3A_322 = arith.constant 1 : i32
        %parallel_loop3A_323 = vector.broadcast %parallel_loop3A_322 : i32 to vector<16xi32>
        %parallel_loop3A_324 = arith.shli %parallel_loop3A_321, %parallel_loop3A_323 : vector<16xi32>
        %parallel_loop3A_325 = vector.broadcast %parallel_loop3A_316 : i32 to vector<16xi32>
        %parallel_loop3A_326 = arith.addi %iota3A, %parallel_loop3A_325 : vector<16xi32>
        %parallel_loop3A_327 = tpu.vector_load_idx %arg22[%parallel_loop3A_326, %parallel_loop3A_324] : memref<1024x8xf32, #tpu.memory_space<vmem>>[vector<16xi32>, vector<16xi32>], vector<16xf32>,
        %parallel_loop3A_328 = arith.constant 1 : i32
        %parallel_loop3A_329 = vector.broadcast %parallel_loop3A_328 : i32 to vector<16xi32>
        %parallel_loop3A_330 = arith.addi %parallel_loop3A_324, %parallel_loop3A_329 : vector<16xi32>
        %parallel_loop3A_331 = tpu.vector_load_idx %arg22[%parallel_loop3A_326, %parallel_loop3A_330] : memref<1024x8xf32, #tpu.memory_space<vmem>>[vector<16xi32>, vector<16xi32>], vector<16xf32>,
        %parallel_loop3A_332 = arith.constant 16 : i32
        %parallel_loop3A_333 = arith.muli %parallel_loop3A_312, %parallel_loop3A_332 : i32
        %parallel_loop3A_334 = arith.constant 7 : i32
        %parallel_loop3A_335 = arith.index_cast %parallel_loop3A_334 : i32 to index
        %parallel_loop3A_336 = arith.index_cast %parallel_loop3A_333 : i32 to index
        %parallel_loop3A_337 = tpu.vector_load %arg23[%parallel_loop3A_335, %parallel_loop3A_336] {strides = array<i32>} : memref<8x256xf32, #tpu.memory_space<vmem>>, vector<16xf32>,
        tpu.vector_store %arg23[%parallel_loop3A_335, %parallel_loop3A_336], %parallel_loop3A_327 {strides = array<i32>} : memref<8x256xf32, #tpu.memory_space<vmem>>, vector<16xf32>,
        %parallel_loop3A_338 = arith.constant 16 : i32
        %parallel_loop3A_339 = arith.muli %parallel_loop3A_312, %parallel_loop3A_338 : i32
        %parallel_loop3A_340 = arith.constant 128 : i32
        %parallel_loop3A_341 = arith.addi %parallel_loop3A_340, %parallel_loop3A_339 : i32
        %parallel_loop3A_342 = arith.constant 7 : i32
        %parallel_loop3A_343 = arith.index_cast %parallel_loop3A_342 : i32 to index
        %parallel_loop3A_344 = arith.index_cast %parallel_loop3A_341 : i32 to index
        %parallel_loop3A_345 = tpu.vector_load %arg23[%parallel_loop3A_343, %parallel_loop3A_344] {strides = array<i32>} : memref<8x256xf32, #tpu.memory_space<vmem>>, vector<16xf32>,
        tpu.vector_store %arg23[%parallel_loop3A_343, %parallel_loop3A_344], %parallel_loop3A_331 {strides = array<i32>} : memref<8x256xf32, #tpu.memory_space<vmem>>, vector<16xf32>,
      } {sc.loop_unroll_factor = 4 : i64, sc.parallel_access}
      %mul3A_266 = arith.constant 2 : i32
      %mul3A_267 = arith.muli %mul3A_266, %scan3A_141 : i32
      %add3A_268 = arith.constant 1 : i32
      %add3A_269 = arith.addi %mul3A_267, %add3A_268 : i32
      %add3A_270 = arith.constant 2 : i32
      %add3A_271 = arith.addi %add3A_269, %add3A_270 : i32
      %lt3A_272 = arith.constant 100 : i32
      %lt3A_273 = arith.cmpi slt, %add3A_271, %lt3A_272 : i32
      %convert_element_type3A_274 = arith.extui %lt3A_273 : i1 to i32
      %cond3A_275 = arith.constant 0 : i32
      %cond3A_276 = arith.cmpi ne, %convert_element_type3A_274, %cond3A_275 : i32
      scf.if %cond3A_276 {
        %add3A_312 = arith.constant 2 : i32
        %add3A_313 = arith.addi %add3A_229, %add3A_312 : i32
        %mul3A_314 = arith.constant 1024 : i32
        %mul3A_315 = arith.muli %add3A_313, %mul3A_314 : i32
        "tpu.region"() ({
          %run_scoped3A = tpu.sem_alloc : memref<!tpu.dma_semaphore, #tpu.memory_space<semaphore_mem>>
          %dma_start3A_322 = tpu.memref_slice %arg2[%mul3A_315] : memref<3276800xi32, #tpu.memory_space<hbm>> -> memref<1024xi32, #tpu.memory_space<hbm>>
          %dma_start3A_323 = tpu.memref_slice %arg2[%mul3A_315] : memref<3276800xi32, #tpu.memory_space<hbm>> -> memref<1024xi32, #tpu.memory_space<hbm>>
          tpu.enqueue_dma source(%dma_start3A_323 : memref<1024xi32, #tpu.memory_space<hbm>>) target(%arg20 : memref<1024xi32, #tpu.memory_space<vmem>>) target_semaphore(%run_scoped3A : memref<!tpu.dma_semaphore, #tpu.memory_space<semaphore_mem>>)
          %dma_wait3A_324 = tpu.memref_slice %arg2[%mul3A_315] : memref<3276800xi32, #tpu.memory_space<hbm>> -> memref<1024xi32, #tpu.memory_space<hbm>>
          %dma_wait3A_325 = tpu.memref_slice %arg2[%mul3A_315] : memref<3276800xi32, #tpu.memory_space<hbm>> -> memref<1024xi32, #tpu.memory_space<hbm>>
          tpu.wait_dma2 semaphore(%run_scoped3A : memref<!tpu.dma_semaphore, #tpu.memory_space<semaphore_mem>>) src(%dma_wait3A_325 : memref<1024xi32, #tpu.memory_space<hbm>>) dst(%arg20 : memref<1024xi32, #tpu.memory_space<vmem>>)
          tpu.yield
        }) : () -> ()
        %parallel_loop3A_316 = arith.constant 0 : i32
        %parallel_loop3A_317 = arith.constant 64 : i32
        %parallel_loop3A_318 = arith.constant 1 : i32
        scf.for %parallel_loop3A_322 = %parallel_loop3A_316 to %parallel_loop3A_317 step %parallel_loop3A_318  : i32 {
          %parallel_loop3A_323 = arith.constant 16 : i32
          %parallel_loop3A_324 = arith.muli %parallel_loop3A_322, %parallel_loop3A_323 : i32
          %parallel_loop3A_325 = arith.index_cast %parallel_loop3A_324 : i32 to index
          %parallel_loop3A_326 = tpu.vector_load %arg20[%parallel_loop3A_325] {strides = array<i32>} : memref<1024xi32, #tpu.memory_space<vmem>>, vector<16xi32>,
          %parallel_loop3A_327 = arith.constant 2 : i32
          %parallel_loop3A_328 = vector.broadcast %parallel_loop3A_327 : i32 to vector<16xi32>
          %parallel_loop3A_329 = arith.shrui %parallel_loop3A_326, %parallel_loop3A_328 : vector<16xi32>
          %parallel_loop3A_330 = arith.constant 16 : i32
          %parallel_loop3A_331 = arith.muli %parallel_loop3A_322, %parallel_loop3A_330 : i32
          %parallel_loop3A_332 = arith.index_cast %parallel_loop3A_331 : i32 to index
          %parallel_loop3A_333 = tpu.vector_load %arg21[%parallel_loop3A_332] {strides = array<i32>} : memref<1024xi32, #tpu.memory_space<vmem>>, vector<16xi32>,
          tpu.vector_store %arg21[%parallel_loop3A_332], %parallel_loop3A_329 {strides = array<i32>} : memref<1024xi32, #tpu.memory_space<vmem>>, vector<16xi32>,
        } {sc.loop_unroll_factor = 4 : i64, sc.parallel_access}
        %dma_start3A_319 = arith.constant 0 : i32
        %dma_start3A_320 = arith.constant 0 : i32
        %dma_start3A_321 = tpu.memref_slice %arg5[%dma_start3A_319, %dma_start3A_320] : memref<262144x8xf32, #tpu.memory_space<hbm>> -> memref<262144x8xf32, #tpu.memory_space<hbm>>
        tpu.enqueue_indirect_dma source(%dma_start3A_321 : memref<262144x8xf32, #tpu.memory_space<hbm>>) target(%arg22 : memref<1024x8xf32, #tpu.memory_space<vmem>>) offsets(%arg21 : memref<1024xi32, #tpu.memory_space<vmem>>) semaphore(%arg24 : memref<!tpu.dma_semaphore, #tpu.memory_space<semaphore_mem>>)
      } else {
      }
      %jit3A_277 = arith.constant 128 : i32
      %div3A_278 = arith.divsi %add3A_229, %jit3A_277 : i32
      %sign3A_279 = arith.constant 0 : i32
      %sign3A_280 = arith.cmpi sgt, %add3A_229, %sign3A_279 : i32
      %sign3A_281 = arith.extui %sign3A_280 : i1 to i32
      %sign3A_282 = arith.constant 0 : i32
      %sign3A_283 = arith.cmpi slt, %add3A_229, %sign3A_282 : i32
      %sign3A_284 = arith.extui %sign3A_283 : i1 to i32
      %sign3A_285 = arith.subi %sign3A_281, %sign3A_284 : i32
      %sign3A_286 = arith.constant 0 : i32
      %sign3A_287 = arith.cmpi sgt, %jit3A_277, %sign3A_286 : i32
      %sign3A_288 = arith.extui %sign3A_287 : i1 to i32
      %sign3A_289 = arith.constant 0 : i32
      %sign3A_290 = arith.cmpi slt, %jit3A_277, %sign3A_289 : i32
      %sign3A_291 = arith.extui %sign3A_290 : i1 to i32
      %sign3A_292 = arith.subi %sign3A_288, %sign3A_291 : i32
      %ne3A_293 = arith.cmpi ne, %sign3A_285, %sign3A_292 : i32
      %rem3A_294 = arith.remsi %add3A_229, %jit3A_277 : i32
      %ne3A_295 = arith.constant 0 : i32
      %ne3A_296 = arith.cmpi ne, %rem3A_294, %ne3A_295 : i32
      %and3A_297 = arith.andi %ne3A_293, %ne3A_296 : i1
      %sub3A_298 = arith.constant 1 : i32
      %sub3A_299 = arith.subi %div3A_278, %sub3A_298 : i32
      %select_n3A_300 = arith.select %and3A_297, %sub3A_299, %div3A_278 : i32
      %mul3A_301 = arith.constant 128 : i32
      %mul3A_302 = arith.muli %select_n3A_300, %mul3A_301 : i32
      %sub3A_303 = arith.subi %add3A_229, %mul3A_302 : i32
      %mul3A_304 = arith.constant 8 : i32
      %mul3A_305 = arith.muli %select_n3A_300, %mul3A_304 : i32
      %mul3A_306 = arith.constant 2 : i32
      %mul3A_307 = arith.muli %sub3A_303, %mul3A_306 : i32
      %mul3A_308 = arith.constant 128 : i32
      %mul3A_309 = arith.muli %mul3A_307, %mul3A_308 : i32
      %dma_start3A_310 = tpu.memref_slice %arg4[%mul3A_305, %mul3A_309] : memref<200x32768xf32, #tpu.memory_space<hbm>> -> memref<8x256xf32, #tpu.memory_space<hbm>>
      %dma_start3A_311 = tpu.memref_slice %arg4[%mul3A_305, %mul3A_309] : memref<200x32768xf32, #tpu.memory_space<hbm>> -> memref<8x256xf32, #tpu.memory_space<hbm>>
      tpu.enqueue_dma source(%arg23 : memref<8x256xf32, #tpu.memory_space<vmem>>) target(%dma_start3A_311 : memref<8x256xf32, #tpu.memory_space<hbm>>) target_semaphore(%arg25 : memref<!tpu.dma_semaphore, #tpu.memory_space<semaphore_mem>>)
    }
    %scan3A_66 = arith.constant 50 : i32
    %add3A_67 = arith.constant 100 : i32
    %add3A_68 = arith.addi %mul3A_2, %add3A_67 : i32
    %sub3A = arith.constant 2 : i32
    %sub3A_69 = arith.subi %add3A_68, %sub3A : i32
    %add3A_70 = arith.constant 0 : i32
    %add3A_71 = arith.addi %sub3A_69, %add3A_70 : i32
    %jit3A = arith.constant 128 : i32
    %div3A = arith.divsi %add3A_71, %jit3A : i32
    %sign3A = arith.constant 0 : i32
    %sign3A_72 = arith.cmpi sgt, %add3A_71, %sign3A : i32
    %sign3A_73 = arith.extui %sign3A_72 : i1 to i32
    %sign3A_74 = arith.constant 0 : i32
    %sign3A_75 = arith.cmpi slt, %add3A_71, %sign3A_74 : i32
    %sign3A_76 = arith.extui %sign3A_75 : i1 to i32
    %sign3A_77 = arith.subi %sign3A_73, %sign3A_76 : i32
    %sign3A_78 = arith.constant 0 : i32
    %sign3A_79 = arith.cmpi sgt, %jit3A, %sign3A_78 : i32
    %sign3A_80 = arith.extui %sign3A_79 : i1 to i32
    %sign3A_81 = arith.constant 0 : i32
    %sign3A_82 = arith.cmpi slt, %jit3A, %sign3A_81 : i32
    %sign3A_83 = arith.extui %sign3A_82 : i1 to i32
    %sign3A_84 = arith.subi %sign3A_80, %sign3A_83 : i32
    %ne3A = arith.cmpi ne, %sign3A_77, %sign3A_84 : i32
    %rem3A = arith.remsi %add3A_71, %jit3A : i32
    %ne3A_85 = arith.constant 0 : i32
    %ne3A_86 = arith.cmpi ne, %rem3A, %ne3A_85 : i32
    %and3A = arith.andi %ne3A, %ne3A_86 : i1
    %sub3A_87 = arith.constant 1 : i32
    %sub3A_88 = arith.subi %div3A, %sub3A_87 : i32
    %select_n3A = arith.select %and3A, %sub3A_88, %div3A : i32
    %mul3A_89 = arith.constant 128 : i32
    %mul3A_90 = arith.muli %select_n3A, %mul3A_89 : i32
    %sub3A_91 = arith.subi %add3A_71, %mul3A_90 : i32
    %mul3A_92 = arith.constant 8 : i32
    %mul3A_93 = arith.muli %select_n3A, %mul3A_92 : i32
    %mul3A_94 = arith.constant 2 : i32
    %mul3A_95 = arith.muli %sub3A_91, %mul3A_94 : i32
    %mul3A_96 = arith.constant 128 : i32
    %mul3A_97 = arith.muli %mul3A_95, %mul3A_96 : i32
    %dma_wait3A_98 = tpu.memref_slice %arg4[%mul3A_93, %mul3A_97] : memref<200x32768xf32, #tpu.memory_space<hbm>> -> memref<8x256xf32, #tpu.memory_space<hbm>>
    %dma_wait3A_99 = tpu.memref_slice %arg4[%mul3A_93, %mul3A_97] : memref<200x32768xf32, #tpu.memory_space<hbm>> -> memref<8x256xf32, #tpu.memory_space<hbm>>
    tpu.wait_dma2 semaphore(%arg19 : memref<!tpu.dma_semaphore, #tpu.memory_space<semaphore_mem>>) src(%arg17 : memref<8x256xf32, #tpu.memory_space<vmem>>) dst(%dma_wait3A_99 : memref<8x256xf32, #tpu.memory_space<hbm>>)
    %add3A_100 = arith.constant 100 : i32
    %add3A_101 = arith.addi %mul3A_2, %add3A_100 : i32
    %sub3A_102 = arith.constant 2 : i32
    %sub3A_103 = arith.subi %add3A_101, %sub3A_102 : i32
    %add3A_104 = arith.constant 1 : i32
    %add3A_105 = arith.addi %sub3A_103, %add3A_104 : i32
    %jit3A_106 = arith.constant 128 : i32
    %div3A_107 = arith.divsi %add3A_105, %jit3A_106 : i32
    %sign3A_108 = arith.constant 0 : i32
    %sign3A_109 = arith.cmpi sgt, %add3A_105, %sign3A_108 : i32
    %sign3A_110 = arith.extui %sign3A_109 : i1 to i32
    %sign3A_111 = arith.constant 0 : i32
    %sign3A_112 = arith.cmpi slt, %add3A_105, %sign3A_111 : i32
    %sign3A_113 = arith.extui %sign3A_112 : i1 to i32
    %sign3A_114 = arith.subi %sign3A_110, %sign3A_113 : i32
    %sign3A_115 = arith.constant 0 : i32
    %sign3A_116 = arith.cmpi sgt, %jit3A_106, %sign3A_115 : i32
    %sign3A_117 = arith.extui %sign3A_116 : i1 to i32
    %sign3A_118 = arith.constant 0 : i32
    %sign3A_119 = arith.cmpi slt, %jit3A_106, %sign3A_118 : i32
    %sign3A_120 = arith.extui %sign3A_119 : i1 to i32
    %sign3A_121 = arith.subi %sign3A_117, %sign3A_120 : i32
    %ne3A_122 = arith.cmpi ne, %sign3A_114, %sign3A_121 : i32
    %rem3A_123 = arith.remsi %add3A_105, %jit3A_106 : i32
    %ne3A_124 = arith.constant 0 : i32
    %ne3A_125 = arith.cmpi ne, %rem3A_123, %ne3A_124 : i32
    %and3A_126 = arith.andi %ne3A_122, %ne3A_125 : i1
    %sub3A_127 = arith.constant 1 : i32
    %sub3A_128 = arith.subi %div3A_107, %sub3A_127 : i32
    %select_n3A_129 = arith.select %and3A_126, %sub3A_128, %div3A_107 : i32
    %mul3A_130 = arith.constant 128 : i32
    %mul3A_131 = arith.muli %select_n3A_129, %mul3A_130 : i32
    %sub3A_132 = arith.subi %add3A_105, %mul3A_131 : i32
    %mul3A_133 = arith.constant 8 : i32
    %mul3A_134 = arith.muli %select_n3A_129, %mul3A_133 : i32
    %mul3A_135 = arith.constant 2 : i32
    %mul3A_136 = arith.muli %sub3A_132, %mul3A_135 : i32
    %mul3A_137 = arith.constant 128 : i32
    %mul3A_138 = arith.muli %mul3A_136, %mul3A_137 : i32
    %dma_wait3A_139 = tpu.memref_slice %arg4[%mul3A_134, %mul3A_138] : memref<200x32768xf32, #tpu.memory_space<hbm>> -> memref<8x256xf32, #tpu.memory_space<hbm>>
    %dma_wait3A_140 = tpu.memref_slice %arg4[%mul3A_134, %mul3A_138] : memref<200x32768xf32, #tpu.memory_space<hbm>> -> memref<8x256xf32, #tpu.memory_space<hbm>>
    tpu.wait_dma2 semaphore(%arg25 : memref<!tpu.dma_semaphore, #tpu.memory_space<semaphore_mem>>) src(%arg23 : memref<8x256xf32, #tpu.memory_space<vmem>>) dst(%dma_wait3A_140 : memref<8x256xf32, #tpu.memory_space<hbm>>)
    return
  }
}

</mosaic_0001>

<sc_bundles>
// kernel: _sc_gather.3.cloned.1.call-start
scs
__scs_entry_jumppad:
0x0: {  	(pc) =	sbr.rel $0x88, $3  }
0x1: {  	(tag) =	ssettag $0x0;
	lr =	simm.s32 $0x1  }
0x2: {  	[smem:$0x3F9F] =	sst lr;
	_ =	strace $0xD0000000  }
0x3: {  	_ = 	snop  }
0x4: {  	_ = 	snop  }
0x5: {  	_ = 	snop  }
0x6: {  	_ = 	snop  }
0x7: {  	_ = 	snop  }
__scs_overlays_trampoline_lowered:
0x8: {  	[smem:$0x3FAE] =	sst s0  }
0x9: {  	[smem:$0x3FAF] =	sst s1  }
0xa: {  	[smem:$0x3FB0] =	sst s2  }
0xb: {  	[smem:$0x3FB1] =	sst s3  }
0xc: {  	[smem:$0x3FB2] =	sst s4  }
0xd: {  	[smem:$0x3FB3] =	sst s5  }
0xe: {  	[smem:$0x3FB4] =	sst s6  }
0xf: {  	[smem:$0x3FB5] =	sst s7  }
0x10: {  	[smem:$0x3FB6] =	sst s8  }
0x11: {  	[smem:$0x3FB7] =	sst s9;
	s0 =	simm.s32 @!p0 $0x0  }
0x12: {  	s1 =	sld [smem:$0x3F9D];
	s0 =	simm.s32 @p0 $0x1  }
0x13: {  	[smem:$0x3FB8] =	sst s0;
	s0 =	simm.s32 @!p1 $0x0  }
0x14: {  	s2 =	sld [smem:$0x3F9C];
	s0 =	simm.s32 @p1 $0x1  }
0x15: {  	[smem:$0x3FB9] =	sst s0;
	s0 =	simm.s32 @!p2 $0x0  }
0x16: {  	s3 =	sld [smem:$0x3FDB];
	s0 =	simm.s32 @p2 $0x1  }
0x17: {  	s4 =	simm.s32 $0x1BF5;
	[smem:$0x3FBB] =	sst s0  }
0x18: {  	s0 =	sld [smem:$0x3F9E];
	_ =	swait.ge [sflag:s4], $0x0  }
0x19: {  	s7 =	sld [smem:$0x3F9F]  }
0x1a: {  	s8 =	sadd.s32 $0xFFFFE003, lr  }
0x1b: {  	s9 =	sadd.s32 $0xFFFFFEF7, lr;
	s5 =	simm.s32 $0xFFFFFFFF;
	p2 =	slt.u32 s8, $0xFFFFF086  }
0x1c: {  	p1 =	slt.u32 s9, $0xF7A;
	s5 =	simm.s32 @!p2 $0x0  }
0x1d: {  	s5 =	simm.s32 @p1 $0x1;
	p0 =	seq.s32 s7, s2  }
0x1e: {  	s7 =	smul.u32 @!p0 $0xF7A, s2;
	p2 =	seq.s32 @!p0 s5, $0x0  }
0x1f: {  	s9 =	smul.u32 $0xF7A, s1;
	s8 =	simm.s32 @!p0 $0x1BF5;
	p2 =	por !p2, p0  }
0x20: {  	[sflag:s8] =	ssyncset.s32 @!p0 $0xFFFFF086;
	s6 =	sadd.s32 @!p0 s3, s7;
	s7 =	simm.s32 @!p0 $0x108  }
0x21: {  	s3 =	sadd.s32 s3, s9;
	s6 =	sadd.s32 @!p0 $0x88, s6;
	s7 =	simm.s32 @p2 $0x1082  }
0x22: {  	[simem:s7], [sflag:s8] =	dma.local @!p0 [hbm:s6], $0xF7A  }
0x23: {  	s9 =	sor.u32 $0xD0000000, s2;
	s6 =	simm.s32 $0x108;
	_ =	swait.ge @!p0 [sflag:s8], $0x0  }
0x24: {  	s3 =	sadd.s32 $0x88, s3;
	s6 =	simm.s32 @!p1 $0x1082;
	[sflag:s4] =	ssyncset.s32 $0xFFFFF086  }
0x25: {  	[simem:s6], [sflag:s4] =	dma.local [hbm:s3], $0xF7A  }
0x26: {  	[smem:$0x3F9F] =	sst s1;
	(tag) =	ssettag s2;
	_ =	strace s9  }
0x27: {  	s1 =	sld [smem:$0x3FAF]  }
0x28: {  	s2 =	sld [smem:$0x3FB0]  }
0x29: {  	s4 =	sld [smem:$0x3FB2]  }
0x2a: {  	p0 =	seq.s32 s5, $0x0;
	s5 =	sld [smem:$0x3FB3]  }
0x2b: {  	s6 =	sld [smem:$0x3FB4]  }
0x2c: {  	s7 =	sld [smem:$0x3FB5]  }
0x2d: {  	s3 =	simm.s32 $0x108;
	s8 =	sld [smem:$0x3FB6]  }
0x2e: {  	s3 =	simm.s32 @!p0 $0x1082;
	s9 =	sld [smem:$0x3FB7]  }
0x2f: {  	lr =	sadd.s32 s0, s3;
	s0 =	sld [smem:$0x3FAE]  }
0x30: {  	s3 =	sld [smem:$0x3FB1]  }
0x31: {  	[smem:$0x3FBA] =	sst s10  }
0x32: {  	s10 =	sld [smem:$0x3FB8];
	_ =	sdelay $0x3  }
0x33: {  	p0 =	seq.s32 s10, $0x1;
	s10 =	sld [smem:$0x3FBA];
	_ =	sdelay $0x3  }
0x34: {  	[smem:$0x3FBA] =	sst s10  }
0x35: {  	s10 =	sld [smem:$0x3FB9];
	_ =	sdelay $0x3  }
0x36: {  	p1 =	seq.s32 s10, $0x1;
	s10 =	sld [smem:$0x3FBA];
	_ =	sdelay $0x3  }
0x37: {  	[smem:$0x3FBA] =	sst s10  }
0x38: {  	s10 =	sld [smem:$0x3FBB]  }
0x39: {  	_ = 	snop;
	(pc) =	sbr.ind lr, $3  }
0x3a: {  	_ = 	snop  }
0x3b: {  	_ = 	snop  }
0x3c: {  	p2 =	seq.s32 s10, $0x1;
	s10 =	sld [smem:$0x3FBA]  }
0x3d: {  	_ =	shalt  }
0x3e: {  	_ =	shalt  }
0x3f: {  	_ =	shalt  }
0x40: {  	_ =	shalt  }
0x41: {  	_ =	shalt  }
0x42: {  	_ =	shalt  }
0x43: {  	_ =	shalt  }
0x44: {  	_ =	shalt  }
0x45: {  	_ =	shalt  }
0x46: {  	_ =	shalt  }
0x47: {  	_ =	shalt  }
0x48: {  	_ =	shalt  }
0x49: {  	_ =	shalt  }
0x4a: {  	_ =	shalt  }
0x4b: {  	_ =	shalt  }
0x4c: {  	_ =	shalt  }
0x4d: {  	_ =	shalt  }
0x4e: {  	_ =	shalt  }
0x4f: {  	_ =	shalt  }
0x50: {  	_ =	shalt  }
0x51: {  	_ =	shalt  }
0x52: {  	_ =	shalt  }
0x53: {  	_ =	shalt  }
0x54: {  	_ =	shalt  }
0x55: {  	_ =	shalt  }
0x56: {  	_ =	shalt  }
0x57: {  	_ =	shalt  }
0x58: {  	_ =	shalt  }
0x59: {  	_ =	shalt  }
0x5a: {  	_ =	shalt  }
0x5b: {  	_ =	shalt  }
0x5c: {  	_ =	shalt  }
0x5d: {  	_ =	shalt  }
0x5e: {  	_ =	shalt  }
0x5f: {  	_ =	shalt  }
0x60: {  	_ =	shalt  }
0x61: {  	_ =	shalt  }
0x62: {  	_ =	shalt  }
0x63: {  	_ =	shalt  }
0x64: {  	_ =	shalt  }
0x65: {  	_ =	shalt  }
0x66: {  	_ =	shalt  }
0x67: {  	_ =	shalt  }
0x68: {  	_ =	shalt  }
0x69: {  	_ =	shalt  }
0x6a: {  	_ =	shalt  }
0x6b: {  	_ =	shalt  }
0x6c: {  	_ =	shalt  }
0x6d: {  	_ =	shalt  }
0x6e: {  	_ =	shalt  }
0x6f: {  	_ =	shalt  }
0x70: {  	_ =	shalt  }
0x71: {  	_ =	shalt  }
0x72: {  	_ =	shalt  }
0x73: {  	_ =	shalt  }
0x74: {  	_ =	shalt  }
0x75: {  	_ =	shalt  }
0x76: {  	_ =	shalt  }
0x77: {  	_ =	shalt  }
0x78: {  	_ =	shalt  }
0x79: {  	_ =	shalt  }
0x7a: {  	_ =	shalt  }
0x7b: {  	_ =	shalt  }
0x7c: {  	_ =	shalt  }
0x7d: {  	_ =	shalt  }
0x7e: {  	_ =	shalt  }
0x7f: {  	_ =	shalt  }
0x80: {  	_ =	shalt  }
0x81: {  	_ =	shalt  }
0x82: {  	_ =	shalt  }
0x83: {  	_ =	shalt  }
0x84: {  	_ =	shalt  }
0x85: {  	_ =	shalt  }
0x86: {  	_ =	shalt  }
0x87: {  	_ =	shalt  }
.Lfunc_end0:
.L_simem_size_0:
called_computation_lowered:
.L_overlay_start_0:
0x88: {  	s2 =	sld [smem:$0x3FD9]  }
0x89: {  	s3 =	sld [smem:$0x3FFE];
	_ =	sdelay $0x1  }
0x8a: {  	s1 =	srdreg.scid  }
0x8b: {  	s0 =	sand.u32 $0x1, s1  }
0x8c: {  	s14 =	sshll.u32 s0, $0xA;
	s2 =	sadd.s32 s3, s2  }
0x8d: {  	s2 =	sadd.s32 s2, s14  }
0x8e: {  	[smem:$0x3FC6] =	sst s2  }
0x8f: {  	_ = 	snop  }
0x90: {  	s2 =	sld [smem:$0x3FD0];
	_ =	sdelay $0x1  }
0x91: {  	s15 =	sld [smem:$0x3FC9]  }
0x92: {  	s5 =	simm.s32 $0xA;
	s6 =	simm.s32 $0x10;
	s4 =	sld [smem:$0x3FC8]  }
0x93: {  	[smem:s6], [sflag:s5] =	dma.local [hbm:s2], $0x1  }
0x94: {  	_ =	swait.eq [sflag:s5], $0x1  }
0x95: {  	[sflag:s5] =	ssyncset.done $0x0  }
0x96: {  	[sflag:s5] =	ssyncadd.s32 $0xFFFFFFFF  }
0x97: {  	s16 =	sld [smem:$0x11];
	(tm) =	ssettm $0x1  }
0x98: {  	s17 =	sld [smem:$0x3FFB];
	_ =	sdelay $0x3  }
0x99: {  	_ =	strace s17  }
0x9a: {  	s5 =	sld [smem:$0x3FFC];
	_ =	sdelay $0x3  }
0x9b: {  	_ =	strace s5  }
0x9c: {  	s5 =	sld [smem:$0x3FFD];
	_ =	sdelay $0x3  }
0x9d: {  	_ =	strace s5  }
0x9e: {  	_ =	strace $0x8FFFFFFF  }
0x9f: {  	s18 =	sld [smem:$0x3FDB];
	_ =	sdelay $0x1  }
0xa0: {  	s19 =	simm.s32 $_scs_section_size  }
0xa1: {  	s7 =	simm.s32 $_size__tile_overlayer_lowered;
	s8 =	simm.s32 $_tile_overlayer_lowered  }
0xa2: {  	s22 =	simm.s32 $0x1BFF;
	s21 =	sshll.u32 s8, $0x1;
	s5 =	sadd.s32 s19, s18  }
0xa3: {  	s9 =	simm.s32 $0x0;
	s20 =	sshll.u32 s7, $0x1;
	s7 =	sadd.s32 s21, s5  }
0xa4: {  	[timem:s9], [sflag:s22] =	dma.local [hbm:s7], s20  }
0xa5: {  	_ =	swait.ge [sflag:s22], s20  }
0xa6: {  	s6 =	ssub.s32 $0x0, s20;
	[sflag:s22] =	ssyncset.done $0x0  }
0xa7: {  	[sflag:s22] =	ssyncadd.s32 s6;
	_ =	sdelay $0x1  }
0xa8: {  	s23 =	simm.s32 $0x1B8B  }
0xa9: {  	_ =	swait.ge [sflag:s23], $0x1  }
0xaa: {  	[sflag:s23] =	ssyncset.done $0x0  }
0xab: {  	s25 =	simm.s32 $0x1B8E;
	s24 =	sld [smem:$0x3FFE];
	[sflag:s23] =	ssyncadd.s32 $0xFFFFFFFF  }
0xac: {  	s26 =	simm.s32 $execute0_lowered;
	[smem:$0x3FD2] =	sst s25  }
0xad: {  	s7 =	sshll.u32 s26, $0x1;
	_ =	strace $0x80000046;
	[dreg:$0x1] =	wrdreg $0xFFFFFFFF  }
0xae: {  	s28 =	simm.s32 $_size_execute0_lowered;
	s5 =	sadd.s32 s5, s7;
	[dreg:$0x0] =	wrdreg $0x0  }
0xaf: {  	s7 =	sshll.u32 s28, $0x1;
	[dreg:$0x2] =	wrdreg s5  }
0xb0: {  	[dreg:$0x3] =	wrdreg s7  }
0xb1: {  	[dreg:$0x4] =	wrdreg $0xC0  }
0xb2: {  	_ =	task [dreg:s9], $0x5FFFF  }
0xb3: {  	[dreg:$0x1] =	wrdreg $0xFFFFFFFF  }
0xb4: {  	[dreg:$0x0] =	wrdreg $0x60  }
0xb5: {  	[dreg:$0x2] =	wrdreg s15  }
0xb6: {  	[dreg:$0x3] =	wrdreg s4  }
0xb7: {  	[dreg:$0x4] =	wrdreg s24  }
0xb8: {  	[dreg:$0x5] =	wrdreg s16  }
0xb9: {  	[dreg:$0x6] =	wrdreg $0x9  }
0xba: {  	_ =	task.clear_ibuf [dreg:s9], $0x7FFFF;
	_ =	strace $0x90000046  }
0xbb: {  	s29 =	simm.s32 $0x9;
	_ =	strace $0x80000048  }
0xbc: {  	_ =	swait.ge [sflag:s29], $0x1  }
0xbd: {  	[sflag:s29] =	ssyncadd.s32 $0xFFFFFFFF  }
0xbe: {  	_ =	strace $0x90000048  }
0xbf: {  	_ =	sfence  }
0xc0: {  	s30 =	sld [smem:$0x0];
	_ =	sdelay $0x2  }
0xc1: {  	s31 =	sshll.u32 s1, $0xD;
	s1 =	sshrl.u32 s1, $0x2  }
0xc2: {  	s3 =	sand.u32 $0x4000, s31;
	s1 =	sadd.s32 s1, s30  }
0xc3: {  	s0 =	sor.u32 s3, s0;
	s1 =	sshll.u32 s1, $0x11  }
0xc4: {  	s0 =	sor.u32 s1, s0  }
0xc5: {  	s0 =	sadd.s32 $0x8F2B, s0  }
0xc6: {  	[sflag:s0] =	ssyncadd.remote.s32 $0x1  }
0xc7: {  	_ =	sfence.sel $0xFFFF  }
0xc8: {  	[dreg:$0x0] =	wrdreg $0xFFFFFFFF;
	(pc) =	sbr.abs _section_cstart, $3  }
0xc9: {  	[dreg:$0x1] =	wrdreg $0xFFFFFFFF  }
0xca: {  	_ =	task.clear_ibuf [dreg:s9], $0x2FFFF;
	_ =	strace $0x9FFFFFFF  }
0xcb: {  	(tm) =	ssettm $0x7FFFFFFF  }
tec
execute0_lowered:
.L_overlay_start_1:
0x0: {  	(tag) =	ssettag $0x1  }
0x1: {  	s0 =	rddreg [dreg:$0x0]  }
0x2: {  	s1 =	rddreg [dreg:$0x1]  }
0x3: {  	s3 =	rddreg [dreg:$0x2]  }
0x4: {  	s2 =	rddreg [dreg:$0x3]  }
0x5: {  	s4 =	simm.s32 $0x0;
	s5 =	srdreg.scid;
	s10 =	stileid.u32  }
0x6: {  	s18 =	simm.s32 $0x1;
	s19 =	simm.s32 $0x1000;
	s20 =	simm.s32 $0x3  }
0x7: {  	s21 =	simm.s32 $0x3000;
	s29 =	simm.s32 $0x4800;
	s13 =	simm.s32 $0x8000  }
0x8: {  	s14 =	simm.s32 $0x0;
	[smem:$0x7FF] =	sst s4;
	s6 =	sand.u32 $0x1, s5  }
0x9: {  	s7 =	sshll.u32 s10, $0x1;
	s5 =	sadd.s32 $0xA00, s3;
	s8 =	sshll.u32 s10, $0xE  }
0xa: {  	s30 =	sadd.s32 $0x100, s0;
	s12 =	sadd.s32 $0x180, s0;
	_ =	strace $0x80000047  }
0xb: {  	s23 =	ssub.s32 $0x2, s6;
	s6 =	sor.u32 s6, s7;
	[dreg:$0xc] =	wrdreg s30  }
0xc: {  	s1 =	sadd.s32 s1, s8;
	s8 =	sshll.u32 s10, $0x5;
	[dreg:$0xd] =	wrdreg s12  }
0xd: {  	s7 =	simm.s32 $0x7;
	[dreg:$0x6] =	wrdreg s1;
	s1 =	sadd.s32 $0x200, s1  }
0xe: {  	s9 =	smul.u32 $0x3200, s6;
	s26 =	sor.u32 $0x2, s8;
	[dreg:$0x7] =	wrdreg s1  }
0xf: {  	s11 =	smul.u32 $0x64, s6;
	s28 =	sor.u32 $0x3, s8;
	[dreg:$0x9] =	wrdreg s26  }
.Ltmp0:
0x10: {  	v3 =	vlaneseq.u32;
	s24 =	sshrl.u32 s23, $0x1;
	[dreg:$0xa] =	wrdreg s28;
	(pc) =	sbr.rel .LBB2_1-.Ltmp0, $4  }
0x11: {  	v0 =	vand.u32 $0x3, v3;
	s3 =	ssub.s32 s23, s24;
	s25 =	sadd.s32 s0, s9;
	[dreg:$0x5] =	wrdreg s11  }
0x12: {  	v0 =	vmul.u32 $0x2, v0;
	s31 =	smax.u32 s3, $0x1;
	s0 =	simm.s32 $0x7800;
	[dreg:$0x8] =	wrdreg s25  }
0x13: {  	s3 =	simm.s32 $0x5;
	s1 =	sadd.s32 $0x80, s25;
	[dreg:$0xe] =	wrdreg s31  }
0x14: {  	v1 =	vmul.u32 $0x2, v3;
	v3 =	vmul.u32 $0x8, v3;
	v2 =	vor.u32 $0x1, v0;
	s9 =	simm.s32 $0x100;
	s25 =	simm.s32 $0x9;
	[dreg:$0xb] =	wrdreg s1  }
.LBB2_51:
0x15: {  	s1 =	simm.s32 $0x6  }
0x16: {  	_ =	swait.ge [sflag:s1], $0x800  }
0x17: {  	[sflag:s1] =	ssyncset.done $0x0  }
0x18: {  	s6 =	simm.s32 $0x8;
	[sflag:s1] =	ssyncadd.s32 $0xFFFFF800  }
0x19: {  	_ =	swait.ge [sflag:s6], $0x800  }
0x1a: {  	s14 =	rddreg [dreg:$0xf]  }
0x1b: {  	s31 =	rddreg [dreg:$0xe];
	s14 =	sadd.s32 $0x1, s14  }
0x1c: {  	p0 =	sne.s32 s14, s31  }
.Ltmp1:
0x1d: {  	_ = 	snop;
	(pc) =	sbr.rel @!p0 .LBB2_52-.Ltmp1, $3  }
0x1e: {  	_ =	sdelay $0x1  }
0x1f: {  	[sflag:s6] =	ssyncset.done $0x0  }
0x20: {  	[sflag:s6] =	ssyncadd.s32 $0xFFFFF800  }
.LBB2_1:
0x21: {  	[dreg:$0xf] =	wrdreg s14  }
0x22: {  	s1 =	rddreg [dreg:$0x6]  }
0x23: {  	[tilespmem:s4], [sflag:$0x1] =	stream.linear.gather [hbm4b:s1+s4], $0x1000, $0x38;
	[tilespmem:$0xA000] =	vst v63  }
0x24: {  	s31 =	rddreg [dreg:$0x7];
	s6 =	simm.s32 $0x2000;
	s22 =	simm.s32 $0x0  }
0x25: {  	[tilespmem:s6], [sflag:$0x3] =	stream.linear.gather [hbm4b:s31+s4], $0x1000, $0x38;
	[tilespmem:$0xA000] =	vst v63  }
.LBB2_2:
0x26: {  	p0 =	seq.s32 s22, $0x0  }
0x27: {  	s15 =	simm.s32 $0x0;
	s26 =	simm.s32 $0x0;
	s14 =	simm.s32 @!p0 $0x2  }
0x28: {  	s11 =	sand.u32 $0x40, s15;
	s15 =	sand.u32 $0xFFFFFF80, s26;
	_ =	swait.ge @!p0 [sflag:s14], $0x1000  }
0x29: {  	s16 =	sor.u32 $0x10, s11;
	s17 =	sor.u32 $0x20, s11;
	s24 =	sor.u32 s11, s15  }
0x2a: {  	[sflag:s14] =	ssyncset.done @!p0 $0x0;
	s28 =	sor.u32 s15, s16;
	s30 =	sor.u32 s15, s17  }
0x2b: {  	s1 =	simm.s32 $0x0;
	v4 =	vmov s24;
	[sflag:s14] =	ssyncadd.s32 @!p0 $0xFFFFF000;
	v5 =	vmov s28;
	v6 =	vmov s30  }
0x2c: {  	s6 =	simm.s32 $0x40;
	s28 =	sor.u32 $0x30, s11;
	v4 =	vshll.u32 v4, $0x1;
	_ =	swait.ge [sflag:s18], $0x1000;
	v5 =	vshll.u32 v5, $0x1;
	v6 =	vshll.u32 v6, $0x1  }
0x2d: {  	s24 =	sand.u32 $0x3FFFFF00, s1;
	s15 =	sor.u32 s15, s28;
	v4 =	vor.u32 v1, v4;
	[sflag:s18] =	ssyncset.done $0x0;
	v7 =	vor.u32 v1, v5;
	v5 =	vor.u32 v1, v6  }
0x2e: {  	s30 =	simm.s32 $0x40;
	s28 =	sor.u32 s28, s24;
	v6 =	vmov s15;
	v8 =	vand.u32 $0x7FFFFF98, v4;
	[sflag:s18] =	ssyncadd.s32 $0xFFFFF000;
	v9 =	vand.u32 $0x7FFFFFF8, v5  }
0x2f: {  	s16 =	sor.u32 s16, s24;
	s10 =	sand.u32 $0x40, s30;
	s15 =	sor.u32 s17, s24;
	v11 =	vshll.u32 v6, $0x1;
	v5 =	vor.u32 v0, v8;
	v7 =	vand.u32 $0x7FFFFFF8, v7;
	v4 =	vld [tilespmem:s28+$0x0]  }
0x30: {  	s17 =	sand.u32 $0xFFFFFF80, s6;
	s26 =	sor.u32 $0x10, s10;
	s12 =	sor.u32 $0x20, s10;
	v6 =	vor.u32 v2, v8;
	v14 =	vld [tilespmem:s16+$0x0];
	v16 =	vor.u32 v0, v7;
	v10 =	vor.u32 v2, v7  }
0x31: {  	s31 =	sor.u32 s10, s17;
	s1 =	sor.u32 s17, s26;
	s23 =	sor.u32 s17, s12;
	v7 =	vor.u32 v2, v9;
	v20 =	vld [tilespmem:s15+$0x0];
	v21 =	vor.u32 v0, v9;
	v8 =	vor.u32 v1, v11  }
0x32: {  	s6 =	sor.u32 s11, s24;
	s11 =	simm.s32 $0x80;
	v9 =	vld [tilespmem:s16+$0x80];
	v11 =	vmov s31;
	v12 =	vmov s1;
	v17 =	vmov s23  }
0x33: {  	s24 =	sor.u32 $0x30, s10;
	s23 =	sand.u32 $0x3FFFFF00, s11;
	v13 =	vld [tilespmem:s6+$0x0];
	v11 =	vshll.u32 v11, $0x1;
	v12 =	vshll.u32 v12, $0x1;
	v18 =	vand.u32 $0x7FFFFFF8, v8  }
0x34: {  	s17 =	sor.u32 s17, s24;
	v8 =	vshll.u32 v17, $0x1;
	s16 =	sor.u32 s24, s23;
	v19 =	vor.u32 v1, v11;
	v15 =	vor.u32 v1, v12;
	v12 =	vld [tilespmem:s15+$0x80]  }
0x35: {  	s31 =	simm.s32 $0x4;
	v22 =	vmov s17;
	s24 =	sshll.u32 s22, $0x1;
	v17 =	vor.u32 v1, v8;
	v8 =	vld [tilespmem:s16+$0x0];
	v11 =	vor.u32 v2, v18;
	[tilespmem:v16+s19+$0x0] =	vst.idx.msk $0xffff, v14  }
0x36: {  	s17 =	sor.u32 s26, s23;
	s14 =	sor.u32 s10, s23;
	s15 =	sor.u32 s12, s23;
	v19 =	vand.u32 $0x7FFFFF98, v19;
	v16 =	vand.u32 $0x7FFFFFF8, v17;
	v17 =	vshll.u32 v22, $0x1;
	v14 =	vld [tilespmem:s6+$0x80];
	[tilespmem:v21+s19+$0x0] =	vst.idx.msk $0xffff, v20  }
.LBB2_3:
0x37: {  	s30 =	sadd.s32 $0x40, s30  }
0x38: {  	s31 =	sadd.s32 $0x4, s31;
	v20 =	vor.u32 v0, v19;
	[tilespmem:v10+s19+$0x0] =	vst.idx.msk $0xffff, v9;
	v21 =	vld [tilespmem:s28+$0x80];
	v22 =	vor.u32 v0, v18;
	s28 =	smov.u32 s16;
	s1 =	sand.u32 $0x40, s30  }
0x39: {  	v19 =	vor.u32 v2, v19;
	v10 =	vand.u32 $0x7FFFFFF8, v15;
	s6 =	sshll.u32 s31, $0x5;
	s10 =	sshll.u32 s31, $0x4;
	v9 =	vld [tilespmem:s17+$0x80];
	[tilespmem:v5+s19+$0x0] =	vst.idx.msk $0xffff, v13;
	v5 =	vmov v20;
	p0 =	slt.u32 s31, $0x7C  }
0x3a: {  	v23 =	vor.u32 v0, v10;
	v10 =	vor.u32 v2, v10;
	v13 =	vor.u32 v2, v16;
	s10 =	sand.u32 $0xFFFFFF80, s10;
	s12 =	sor.u32 $0x10, s1;
	s16 =	sor.u32 $0x20, s1;
	v20 =	vld [tilespmem:s17+$0x0]  }
0x3b: {  	v25 =	vor.u32 v0, v16;
	v15 =	vor.u32 v1, v17;
	s17 =	sor.u32 s1, s10;
	s23 =	sor.u32 s10, s12;
	s26 =	sor.u32 s10, s16;
	v24 =	vld [tilespmem:s15+$0x0];
	[tilespmem:v7+s19+$0x0] =	vst.idx.msk $0xffff, v12;
	v7 =	vmov v13  }
.Ltmp2:
0x3c: {  	s6 =	sand.u32 $0x3FFFFF00, s6;
	v12 =	vmov s17;
	v13 =	vmov s23;
	v16 =	vmov s26;
	s23 =	sor.u32 $0x30, s1;
	[tilespmem:v6+s19+$0x0] =	vst.idx.msk $0xffff, v14;
	(pc) =	sbr.rel @p0 .LBB2_3-.Ltmp2, $4  }
0x3d: {  	v18 =	vand.u32 $0x7FFFFFF8, v15;
	s17 =	sor.u32 s12, s6;
	s12 =	sor.u32 s16, s6;
	v6 =	vmovc v19;
	v12 =	vshll.u32 v12, $0x1;
	v14 =	vshll.u32 v13, $0x1;
	s10 =	sor.u32 s10, s23;
	v13 =	vld [tilespmem:s14+$0x0];
	[tilespmem:v22+s19+$0x0] =	vst.idx.msk $0xffff, v4;
	v4 =	vmovc v8  }
0x3e: {  	s1 =	sor.u32 s1, s6;
	v8 =	vshll.u32 v16, $0x1;
	s16 =	sor.u32 s23, s6;
	v17 =	vor.u32 v1, v12;
	v15 =	vor.u32 v1, v14;
	v12 =	vld [tilespmem:s15+$0x80];
	[tilespmem:v11+s19+$0x0] =	vst.idx.msk $0xffff, v21;
	s15 =	smov.u32 s12  }
0x3f: {  	v14 =	vor.u32 v1, v8;
	v21 =	vmov s10;
	v11 =	vor.u32 v2, v18;
	v8 =	vld [tilespmem:s16+$0x0];
	[tilespmem:v23+s19+$0x0] =	vst.idx.msk $0xffff, v20  }
0x40: {  	v19 =	vand.u32 $0x7FFFFF98, v17;
	v16 =	vand.u32 $0x7FFFFFF8, v14;
	v17 =	vshll.u32 v21, $0x1;
	v14 =	vld [tilespmem:s14+$0x80];
	[tilespmem:v25+s19+$0x0] =	vst.idx.msk $0xffff, v24;
	s14 =	smov.u32 s1  }
0x41: {  	_ =	sdelay $0x2  }
0x42: {  	v18 =	vor.u32 v0, v18  }
0x43: {  	[tilespmem:v10+s19+$0x0] =	vst.idx.msk $0xffff, v9;
	v54 =	vld [tilespmem:s15+$0x0];
	v20 =	vor.u32 v0, v16  }
0x44: {  	v51 =	vld [tilespmem:s28+$0x80];
	v52 =	vand.u32 $0x7FFFFFF8, v15;
	[tilespmem:v5+s19+$0x0] =	vst.idx.msk $0xffff, v13  }
0x45: {  	v5 =	vld [tilespmem:s17+$0x0];
	v53 =	vor.u32 v0, v52;
	[tilespmem:v7+s19+$0x0] =	vst.idx.msk $0xffff, v12  }
0x46: {  	v56 =	vor.u32 v0, v19;
	v57 =	vld [tilespmem:s14+$0x0];
	v58 =	vor.u32 v1, v17;
	[tilespmem:v6+s19+$0x0] =	vst.idx.msk $0xffff, v14  }
0x47: {  	v55 =	vld [tilespmem:s17+$0x80];
	v10 =	vor.u32 v2, v52;
	v61 =	vand.u32 $0x7FFFFFF8, v58;
	[tilespmem:v18+s19+$0x0] =	vst.idx.msk $0xffff, v4  }
0x48: {  	v59 =	vld [tilespmem:s15+$0x80];
	v62 =	vor.u32 v0, v61;
	[tilespmem:v20+s19+$0x0] =	vst.idx.msk $0xffff, v54  }
0x49: {  	v4 =	vor.u32 v2, v16;
	[tilespmem:v11+s19+$0x0] =	vst.idx.msk $0xffff, v51  }
0x4a: {  	v60 =	vor.u32 v2, v19;
	[tilespmem:v53+s19+$0x0] =	vst.idx.msk $0xffff, v5;
	v5 =	vld [tilespmem:s14+$0x80]  }
0x4b: {  	v63 =	vld [tilespmem:s16+$0x80];
	v11 =	vor.u32 v2, v61;
	[tilespmem:v56+s19+$0x0] =	vst.idx.msk $0xffff, v57  }
0x4c: {  	[tilespmem:v10+s19+$0x0] =	vst.idx.msk $0xffff, v55  }
0x4d: {  	[tilespmem:v62+s19+$0x0] =	vst.idx.msk $0xffff, v8  }
0x4e: {  	s1 =	sadd.s32 s8, s24;
	p0 =	seq.s32 s22, $0xF;
	[tilespmem:v4+s19+$0x0] =	vst.idx.msk $0xffff, v59  }
0x4f: {  	s1 =	sshll.u32 s1, $0x9;
	p1 =	seq.s32 @!p0 s22, $0x0;
	[tilespmem:v60+s19+$0x0] =	vst.idx.msk $0xffff, v5  }
0x50: {  	s1 =	sadd.s32 s2, s1;
	p1 =	por p0, !p1;
	[tilespmem:v11+s19+$0x0] =	vst.idx.msk $0xffff, v63  }
0x51: {  	[hbm4b:s1+s4] =	stream.linear.scatter [tilespmem:s19], [sflag:$0x2], $0x1000, $0x38;
	[tilespmem:$0xA000] =	vst v63  }
.Ltmp3:
0x52: {  	s1 =	rddreg [dreg:$0x9];
	(pc) =	sbr.rel @!p1 .LBB2_6-.Ltmp3, $4  }
0x53: {  	s1 =	sadd.s32 @!p0 s24, s1  }
0x54: {  	s6 =	rddreg [dreg:$0x1];
	s1 =	sshll.u32 @!p0 s1, $0x9  }
0x55: {  	s28 =	sor.u32 @!p0 $0x1, s24;
	s1 =	sadd.s32 @!p0 s6, s1;
	s6 =	simm.s32 @!p0 $0x0  }
0x56: {  	[tilespmem:s6], [sflag:$0x1] =	stream.linear.gather @!p0 [hbm4b:s1+s6], $0x1000, $0x38;
	[tilespmem:$0xA000] =	vst v63  }
0x57: {  	s1 =	simm.s32 $0x4  }
0x58: {  	_ =	swait.ge [sflag:s1], $0x1000  }
0x59: {  	[sflag:s1] =	ssyncset.done $0x0  }
0x5a: {  	s28 =	simm.s32 @p0 $0x1F;
	[sflag:s1] =	ssyncadd.s32 $0xFFFFF000  }
.LBB2_6:
0x5b: {  	s1 =	simm.s32 $0x0;
	s6 =	simm.s32 $0x0  }
0x5c: {  	s17 =	simm.s32 $0x0;
	s1 =	sand.u32 $0x40, s1;
	s6 =	sand.u32 $0xFFFFFF80, s6  }
0x5d: {  	s10 =	sor.u32 $0x10, s1;
	s12 =	sor.u32 $0x30, s1;
	s14 =	sor.u32 s1, s6  }
0x5e: {  	s16 =	sor.u32 $0x20, s1;
	s15 =	sor.u32 s6, s10;
	v4 =	vmov s14;
	s11 =	sor.u32 s6, s12  }
0x5f: {  	_ =	swait.ge [sflag:s20], $0x1000;
	s23 =	sand.u32 $0x3FFFFF00, s17;
	s6 =	sor.u32 s6, s16;
	v5 =	vmov s15;
	v4 =	vshll.u32 v4, $0x1;
	v6 =	vmov s11  }
0x60: {  	[sflag:s20] =	ssyncset.done $0x0;
	v7 =	vmov s6;
	s6 =	sadd.s32 $0x2000, s23;
	v6 =	vshll.u32 v6, $0x1;
	v5 =	vshll.u32 v5, $0x1  }
0x61: {  	s30 =	simm.s32 $0x40;
	[sflag:s20] =	ssyncadd.s32 $0xFFFFF000;
	v4 =	vor.u32 v1, v4;
	s10 =	sor.u32 s10, s6;
	v7 =	vshll.u32 v7, $0x1;
	v6 =	vor.u32 v1, v6  }
0x62: {  	s26 =	simm.s32 $0x40;
	s15 =	sand.u32 $0x40, s30;
	s1 =	sor.u32 s1, s6;
	v5 =	vor.u32 v1, v5;
	v9 =	vand.u32 $0x7FFFFF98, v4;
	v12 =	vld [tilespmem:s10+$0x0];
	v7 =	vor.u32 v1, v7  }
0x63: {  	s14 =	sor.u32 s16, s6;
	s16 =	sand.u32 $0xFFFFFF80, s26;
	s23 =	sor.u32 $0x10, s15;
	v18 =	vld [tilespmem:s1+$0x0];
	v8 =	vand.u32 $0x7FFFFFF8, v6;
	v5 =	vand.u32 $0x7FFFFFF8, v5;
	v19 =	vor.u32 v0, v9  }
0x64: {  	v16 =	vld [tilespmem:s10+$0x80];
	s10 =	sor.u32 s15, s16;
	s17 =	sor.u32 s16, s23;
	v6 =	vor.u32 v2, v9;
	v9 =	vand.u32 $0x7FFFFFF8, v7;
	v13 =	vor.u32 v0, v5  }
0x65: {  	s26 =	sor.u32 $0x30, s15;
	s11 =	sor.u32 $0x20, s15;
	v11 =	vmov s10;
	v20 =	vmov s17;
	v17 =	vor.u32 v2, v5  }
0x66: {  	s31 =	simm.s32 $0x80;
	v10 =	vld [tilespmem:s1+$0x80];
	s10 =	sor.u32 s16, s11;
	s16 =	sor.u32 s16, s26;
	v4 =	vor.u32 v2, v8;
	v5 =	vor.u32 v0, v8;
	v8 =	vor.u32 v0, v9  }
0x67: {  	v7 =	vld [tilespmem:s14+$0x80];
	s17 =	sand.u32 $0x3FFFFF00, s31;
	v14 =	vshll.u32 v11, $0x1;
	v15 =	vmov s10;
	v21 =	vmov s16  }
0x68: {  	s10 =	sor.u32 s12, s6;
	s12 =	sadd.s32 $0x2000, s17;
	v11 =	vld [tilespmem:s14+$0x0];
	v22 =	vor.u32 v1, v14;
	v15 =	vshll.u32 v15, $0x1;
	v21 =	vshll.u32 v21, $0x1;
	[tilespmem:v19+s21+$0x0] =	vst.idx.msk $0xffff, v18  }
0x69: {  	s17 =	simm.s32 $0x4;
	s31 =	sor.u32 s15, s12;
	v14 =	vld [tilespmem:s10+$0x0];
	v63 =	vor.u32 v1, v21;
	[tilespmem:v13+s21+$0x0] =	vst.idx.msk $0xffff, v12;
	v13 =	vshll.u32 v20, $0x1;
	v12 =	vor.u32 v2, v9  }
0x6a: {  	s16 =	sor.u32 s23, s12;
	s15 =	sor.u32 s11, s12;
	s14 =	sor.u32 s26, s12;
	v9 =	vld [tilespmem:s10+$0x80];
	[tilespmem:v17+s21+$0x0] =	vst.idx.msk $0xffff, v16;
	v16 =	vand.u32 $0x7FFFFF98, v22;
	v17 =	vor.u32 v1, v13;
	v13 =	vand.u32 $0x7FFFFFF8, v63  }
.LBB2_7:
0x6b: {  	s17 =	sadd.s32 $0x4, s17;
	s30 =	sadd.s32 $0x40, s30  }
0x6c: {  	v17 =	vand.u32 $0x7FFFFFF8, v17;
	v18 =	vld [tilespmem:s15+$0x80];
	v19 =	vor.u32 v2, v13;
	[tilespmem:v6+s21+$0x0] =	vst.idx.msk $0xffff, v10;
	s1 =	sand.u32 $0x40, s30;
	s10 =	sshll.u32 s17, $0x4  }
0x6d: {  	v10 =	vor.u32 v1, v15;
	s6 =	sshll.u32 s17, $0x5;
	v20 =	vld [tilespmem:s16+$0x0];
	v21 =	vor.u32 v0, v17;
	[tilespmem:v8+s21+$0x0] =	vst.idx.msk $0xffff, v11;
	p1 =	slt.u32 s17, $0x7C;
	s10 =	sand.u32 $0xFFFFFF80, s10  }
0x6e: {  	v6 =	vor.u32 v2, v16;
	v17 =	vor.u32 v2, v17;
	s11 =	sor.u32 $0x10, s1;
	s12 =	sor.u32 $0x30, s1;
	v22 =	vld [tilespmem:s16+$0x80];
	[tilespmem:v5+s21+$0x0] =	vst.idx.msk $0xffff, v14;
	s26 =	sor.u32 $0x20, s1  }
0x6f: {  	v24 =	vor.u32 v0, v16;
	v16 =	vand.u32 $0x7FFFFFF8, v10;
	v5 =	vor.u32 v0, v13;
	s6 =	sand.u32 $0x3FFFFF00, s6;
	s16 =	sor.u32 s1, s10;
	s23 =	sor.u32 s10, s11;
	v23 =	vld [tilespmem:s31+$0x0];
	[tilespmem:v12+s21+$0x0] =	vst.idx.msk $0xffff, v7  }
.Ltmp4:
0x70: {  	v8 =	vor.u32 v0, v16;
	v15 =	vmov s16;
	v12 =	vmov s23;
	s16 =	sor.u32 s10, s26;
	s10 =	sor.u32 s10, s12;
	v10 =	vld [tilespmem:s31+$0x80];
	[tilespmem:v4+s21+$0x0] =	vst.idx.msk $0xffff, v9;
	(pc) =	sbr.rel @p1 .LBB2_7-.Ltmp4, $4  }
0x71: {  	s6 =	sadd.s32 $0x2000, s6;
	v4 =	vmovc v19;
	v9 =	vshll.u32 v15, $0x1;
	v13 =	vmov s16;
	v14 =	vmov s10;
	v11 =	vld [tilespmem:s15+$0x0];
	v7 =	vmovc v18  }
0x72: {  	s31 =	sor.u32 s1, s6;
	s16 =	sor.u32 s11, s6;
	s15 =	sor.u32 s26, s6;
	v18 =	vor.u32 v1, v9;
	v15 =	vshll.u32 v13, $0x1;
	v9 =	vshll.u32 v14, $0x1;
	[tilespmem:v21+s21+$0x0] =	vst.idx.msk $0xffff, v20;
	v14 =	vld [tilespmem:s14+$0x0]  }
0x73: {  	v13 =	vshll.u32 v12, $0x1;
	v12 =	vor.u32 v2, v16;
	v19 =	vor.u32 v1, v9;
	[tilespmem:v17+s21+$0x0] =	vst.idx.msk $0xffff, v22;
	v9 =	vld [tilespmem:s14+$0x80];
	s14 =	sor.u32 s12, s6  }
0x74: {  	v16 =	vand.u32 $0x7FFFFF98, v18;
	v17 =	vor.u32 v1, v13;
	v13 =	vand.u32 $0x7FFFFFF8, v19;
	[tilespmem:v24+s21+$0x0] =	vst.idx.msk $0xffff, v23  }
0x75: {  	_ =	sdelay $0x3  }
0x76: {  	v17 =	vand.u32 $0x7FFFFFF8, v17;
	[tilespmem:v6+s21+$0x0] =	vst.idx.msk $0xffff, v10;
	v58 =	vor.u32 v0, v13;
	v59 =	vld [tilespmem:s14+$0x0]  }
0x77: {  	v50 =	vld [tilespmem:s16+$0x0];
	v51 =	vor.u32 v0, v17;
	[tilespmem:v8+s21+$0x0] =	vst.idx.msk $0xffff, v11  }
0x78: {  	v62 =	vor.u32 v2, v13;
	v63 =	vld [tilespmem:s14+$0x80];
	[tilespmem:v5+s21+$0x0] =	vst.idx.msk $0xffff, v14  }
0x79: {  	v52 =	vld [tilespmem:s16+$0x80];
	v53 =	vor.u32 v2, v17;
	[tilespmem:v12+s21+$0x0] =	vst.idx.msk $0xffff, v7  }
0x7a: {  	v15 =	vor.u32 v1, v15;
	v54 =	vor.u32 v0, v16;
	v5 =	vld [tilespmem:s31+$0x0];
	[tilespmem:v4+s21+$0x0] =	vst.idx.msk $0xffff, v9  }
0x7b: {  	v55 =	vor.u32 v2, v16;
	v56 =	vld [tilespmem:s31+$0x80];
	v15 =	vand.u32 $0x7FFFFFF8, v15;
	[tilespmem:v58+s21+$0x0] =	vst.idx.msk $0xffff, v59  }
0x7c: {  	v57 =	vor.u32 v0, v15;
	v4 =	vld [tilespmem:s15+$0x0];
	[tilespmem:v51+s21+$0x0] =	vst.idx.msk $0xffff, v50  }
0x7d: {  	v60 =	vld [tilespmem:s15+$0x80];
	v61 =	vor.u32 v2, v15;
	[tilespmem:v62+s21+$0x0] =	vst.idx.msk $0xffff, v63  }
0x7e: {  	[tilespmem:v53+s21+$0x0] =	vst.idx.msk $0xffff, v52  }
.Ltmp5:
0x7f: {  	[tilespmem:v54+s21+$0x0] =	vst.idx.msk $0xffff, v5;
	(pc) =	sbr.rel @p0 .LBB2_10-.Ltmp5, $4  }
0x80: {  	s1 =	sadd.s32 s8, s28;
	[tilespmem:v55+s21+$0x0] =	vst.idx.msk $0xffff, v56  }
0x81: {  	s1 =	sshll.u32 s1, $0x9;
	[tilespmem:v57+s21+$0x0] =	vst.idx.msk $0xffff, v4  }
0x82: {  	s1 =	sadd.s32 s2, s1;
	[tilespmem:v61+s21+$0x0] =	vst.idx.msk $0xffff, v60  }
0x83: {  	[hbm4b:s1+s4] =	stream.linear.scatter [tilespmem:s21], [sflag:$0x4], $0x1000, $0x38;
	[tilespmem:$0xA000] =	vst v63  }
.Ltmp6:
0x84: {  	s1 =	rddreg [dreg:$0xa];
	(pc) =	sbr.rel .LBB2_2-.Ltmp6, $4  }
0x85: {  	s1 =	sadd.s32 s24, s1  }
0x86: {  	s6 =	rddreg [dreg:$0x1];
	s1 =	sshll.u32 s1, $0x9  }
0x87: {  	s31 =	simm.s32 $0x2000;
	s22 =	sadd.s32 $0x1, s22;
	s1 =	sadd.s32 s6, s1  }
0x88: {  	[tilespmem:s31], [sflag:$0x3] =	stream.linear.gather [hbm4b:s1+s4], $0x1000, $0x38;
	[tilespmem:$0xA000] =	vst v63  }
.LBB2_10:
0x89: {  	s1 =	simm.s32 $0x2  }
0x8a: {  	_ =	swait.ge [sflag:s1], $0x1000  }
0x8b: {  	[sflag:s1] =	ssyncset.done $0x0  }
0x8c: {  	s28 =	simm.s32 $0x4;
	[sflag:s1] =	ssyncadd.s32 $0xFFFFF000  }
0x8d: {  	_ =	swait.ge [sflag:s28], $0x1000  }
0x8e: {  	[sflag:s28] =	ssyncset.done $0x0  }
0x8f: {  	[sflag:s28] =	ssyncadd.s32 $0xFFFFF000  }
0x90: {  	[bflag:$0x0] =	sbarrier.arrive $0xFFFF  }
0x91: {  	s17 =	simm.s32 $0x4000;
	s30 =	rddreg [dreg:$0x8]  }
0x92: {  	[tilespmem:s17], [sflag:$0x9] =	stream.linear.gather [hbm4b:s30+s4], $0x400, $0x38;
	[tilespmem:$0xA000] =	vst v63  }
0x93: {  	_ =	swait.ge [sflag:s25], $0x400  }
0x94: {  	[sflag:s25] =	ssyncset.done $0x0  }
0x95: {  	s31 =	simm.s32 $0x4020;
	[sflag:s25] =	ssyncadd.s32 $0xFFFFFC00  }
0x96: {  	v4 =	vld [tilespmem:s31+$0xFFFFFFE0]  }
0x97: {  	v6 =	vld [tilespmem:s31+$0x0]  }
0x98: {  	v5 =	vld [tilespmem:s31+$0x10]  }
0x99: {  	v7 =	vld [tilespmem:s31+$0xFFFFFFF0];
	_ =	sdelay $0x1  }
0x9a: {  	s14 =	simm.s32 $0x4420;
	s15 =	simm.s32 $0x4060;
	v8 =	vshrl.u32 v4, $0x2  }
0x9b: {  	v4 =	vld [tilespmem:s15+$0xFFFFFFE0];
	v9 =	vshrl.u32 v6, $0x2;
	[tilespmem:s14+$0xFFFFFFE0] =	vst v8  }
0x9c: {  	v6 =	vld [tilespmem:s15+$0x0];
	v8 =	vshrl.u32 v5, $0x2;
	[tilespmem:s14+$0x0] =	vst v9  }
0x9d: {  	s16 =	simm.s32 $0x4;
	v7 =	vshrl.u32 v7, $0x2;
	v5 =	vld [tilespmem:s15+$0x10];
	[tilespmem:s14+$0x10] =	vst v8  }
.LBB2_11:
0x9e: {  	s16 =	sadd.s32 $0x4, s16  }
0x9f: {  	v8 =	vld [tilespmem:s15+$0xFFFFFFF0];
	[tilespmem:s14+$0xFFFFFFF0] =	vst v7;
	s14 =	sadd.s32 $0x40, s14;
	p0 =	slt.u32 s16, $0x3C  }
.Ltmp7:
0xa0: {  	(pc) =	sbr.rel @p0 .LBB2_11-.Ltmp7, $4  }
0xa1: {  	s15 =	sadd.s32 $0x40, s15;
	v7 =	vshrl.u32 v4, $0x2  }
0xa2: {  	v4 =	vld [tilespmem:s15+$0xFFFFFFE0];
	[tilespmem:s14+$0xFFFFFFE0] =	vst v7;
	v7 =	vshrl.u32 v5, $0x2  }
0xa3: {  	v5 =	vld [tilespmem:s15+$0x10];
	v9 =	vshrl.u32 v6, $0x2;
	[tilespmem:s14+$0x10] =	vst v7  }
0xa4: {  	v6 =	vld [tilespmem:s15+$0x0];
	v7 =	vshrl.u32 v8, $0x2;
	[tilespmem:s14+$0x0] =	vst v9  }
0xa5: {  	v8 =	vld [tilespmem:s15+$0xFFFFFFF0];
	_ =	sdelay $0x1  }
0xa6: {  	[tilespmem:s14+$0xFFFFFFF0] =	vst v7;
	s1 =	sadd.s32 $0x40, s14;
	v4 =	vshrl.u32 v4, $0x2  }
0xa7: {  	[tilespmem:s1+$0xFFFFFFE0] =	vst v4;
	v4 =	vshrl.u32 v5, $0x2  }
0xa8: {  	v5 =	vshrl.u32 v6, $0x2;
	[tilespmem:s1+$0x10] =	vst v4  }
0xa9: {  	v4 =	vshrl.u32 v8, $0x2;
	[tilespmem:s1+$0x0] =	vst v5  }
0xaa: {  	s23 =	simm.s32 $0x400;
	s26 =	simm.s32 $0x4400;
	[tilespmem:s1+$0xFFFFFFF0] =	vst v4  }
0xab: {  	[tilespmem:s29], [sflag:$0x5] =	stream.indirect.gather [hbm4b:s2+s23], $0x8, s26, s23, $0xb8;
	[tilespmem:$0xA000] =	vst v63  }
0xac: {  	s6 =	simm.s32 $0x7000;
	s1 =	rddreg [dreg:$0xb]  }
0xad: {  	[tilespmem:s6], [sflag:$0x9] =	stream.linear.gather [hbm4b:s1+s4], $0x400, $0x38;
	[tilespmem:$0xA000] =	vst v63  }
0xae: {  	_ =	swait.ge [sflag:s25], $0x400  }
0xaf: {  	[sflag:s25] =	ssyncset.done $0x0  }
0xb0: {  	s31 =	simm.s32 $0x7020;
	[sflag:s25] =	ssyncadd.s32 $0xFFFFFC00  }
0xb1: {  	v4 =	vld [tilespmem:s31+$0xFFFFFFE0]  }
0xb2: {  	v6 =	vld [tilespmem:s31+$0x0]  }
0xb3: {  	v5 =	vld [tilespmem:s31+$0x10];
	_ =	sdelay $0x2  }
0xb4: {  	s14 =	simm.s32 $0x7420;
	v8 =	vshrl.u32 v4, $0x2  }
0xb5: {  	v7 =	vld [tilespmem:s31+$0xFFFFFFF0];
	v9 =	vshrl.u32 v6, $0x2;
	[tilespmem:s14+$0xFFFFFFE0] =	vst v8  }
0xb6: {  	v8 =	vshrl.u32 v5, $0x2;
	[tilespmem:s14+$0x0] =	vst v9  }
0xb7: {  	s15 =	simm.s32 $0x7060;
	[tilespmem:s14+$0x10] =	vst v8  }
0xb8: {  	v4 =	vld [tilespmem:s15+$0xFFFFFFE0];
	s11 =	rddreg [dreg:$0x5]  }
0xb9: {  	v6 =	vld [tilespmem:s15+$0x0];
	s10 =	rddreg [dreg:$0xc]  }
0xba: {  	s16 =	simm.s32 $0x4;
	v7 =	vshrl.u32 v7, $0x2;
	v5 =	vld [tilespmem:s15+$0x10];
	s12 =	rddreg [dreg:$0xd]  }
.LBB2_13:
0xbb: {  	s16 =	sadd.s32 $0x4, s16  }
0xbc: {  	v8 =	vld [tilespmem:s15+$0xFFFFFFF0];
	[tilespmem:s14+$0xFFFFFFF0] =	vst v7;
	s14 =	sadd.s32 $0x40, s14;
	p0 =	slt.u32 s16, $0x3C  }
.Ltmp8:
0xbd: {  	(pc) =	sbr.rel @p0 .LBB2_13-.Ltmp8, $4  }
0xbe: {  	s15 =	sadd.s32 $0x40, s15;
	v7 =	vshrl.u32 v4, $0x2  }
0xbf: {  	v4 =	vld [tilespmem:s15+$0xFFFFFFE0];
	[tilespmem:s14+$0xFFFFFFE0] =	vst v7;
	v7 =	vshrl.u32 v5, $0x2  }
0xc0: {  	v5 =	vld [tilespmem:s15+$0x10];
	v9 =	vshrl.u32 v6, $0x2;
	[tilespmem:s14+$0x10] =	vst v7  }
0xc1: {  	v6 =	vld [tilespmem:s15+$0x0];
	v7 =	vshrl.u32 v8, $0x2;
	[tilespmem:s14+$0x0] =	vst v9  }
0xc2: {  	v8 =	vld [tilespmem:s15+$0xFFFFFFF0];
	_ =	sdelay $0x1  }
0xc3: {  	[tilespmem:s14+$0xFFFFFFF0] =	vst v7;
	s1 =	sadd.s32 $0x40, s14;
	v4 =	vshrl.u32 v4, $0x2  }
.Ltmp9:
0xc4: {  	[tilespmem:s1+$0xFFFFFFE0] =	vst v4;
	v4 =	vshrl.u32 v5, $0x2;
	(pc) =	sbr.rel .LBB2_15-.Ltmp9, $4  }
0xc5: {  	v5 =	vshrl.u32 v6, $0x2;
	[tilespmem:s1+$0x10] =	vst v4  }
0xc6: {  	v4 =	vshrl.u32 v8, $0x2;
	[tilespmem:s1+$0x0] =	vst v5  }
0xc7: {  	s31 =	simm.s32 $0x7400;
	s22 =	simm.s32 $0x0;
	[tilespmem:s1+$0xFFFFFFF0] =	vst v4  }
0xc8: {  	[tilespmem:s0], [sflag:$0x7] =	stream.indirect.gather [hbm4b:s2+s23], $0x8, s31, s23, $0xb8;
	[tilespmem:$0xA000] =	vst v63  }
.LBB2_50:
0xc9: {  	s22 =	sadd.s32 $0x1, s22  }
0xca: {  	s1 =	sadd.s32 s28, s31;
	p0 =	sne.s32 s22, $0x32  }
.Ltmp10:
0xcb: {  	s1 =	sadd.s32 s30, s1;
	(pc) =	sbr.rel @!p0 .LBB2_51-.Ltmp10, $4  }
0xcc: {  	s1 =	sadd.s32 $0x100, s1  }
0xcd: {  	s1 =	sshrl.u32 s1, $0x3  }
0xce: {  	s6 =	simm.s32 $0x9800;
	s1 =	sadd.s32 s5, s1  }
0xcf: {  	[hbm4b:s1+s9] =	stream.strided.scatter [tilespmem:s6], [sflag:$0x8], $0x800, s13, s9, $0x38;
	[tilespmem:$0xA000] =	vst v63  }
.LBB2_15:
0xd0: {  	_ =	swait.ge [sflag:s3], $0x2000  }
0xd1: {  	p0 =	seq.s32 s22, $0x0;
	[sflag:s3] =	ssyncset.done $0x0  }
0xd2: {  	s1 =	simm.s32 @!p0 $0x6;
	[sflag:s3] =	ssyncadd.s32 $0xFFFFE000  }
0xd3: {  	s6 =	sshll.u32 s22, $0x1;
	_ =	swait.ge @!p0 [sflag:s1], $0x800  }
0xd4: {  	p2 =	por $0x1, $0x1;
	p1 =	por $0x1, $0x1;
	[sflag:s1] =	ssyncset.done @!p0 $0x0  }
0xd5: {  	s15 =	simm.s32 $0x0;
	s24 =	sadd.s32 s11, s6;
	[sflag:s1] =	ssyncadd.s32 @!p0 $0xFFFFF800  }
.LBB2_16:
0xd6: {  	v4 =	vld [tilespmem:s15+$0x4000]  }
0xd7: {  	v5 =	vld [tilespmem:s15+$0x4010];
	_ =	sdelay $0x1  }
0xd8: {  	v6 =	vmov s15;
	s1 =	sor.u32 $0x10, s15;
	v7 =	vld [tilespmem:s15+$0x4020];
	s30 =	sor.u32 $0x20, s15  }
0xd9: {  	v9 =	vld [tilespmem:s15+$0x4030];
	s31 =	sor.u32 $0x30, s15;
	v6 =	vshll.u32 v6, $0x3;
	v8 =	vmov s1;
	v60 =	vmov s30  }
0xda: {  	v11 =	vmov s31;
	v6 =	vor.u32 v3, v6;
	v4 =	vshll.u32 v4, $0x1  }
0xdb: {  	v8 =	vshll.u32 v8, $0x3;
	v5 =	vshll.u32 v5, $0x1;
	v4 =	vand.u32 $0x6, v4  }
0xdc: {  	v58 =	vor.u32 v3, v8;
	v5 =	vand.u32 $0x6, v5;
	v4 =	vor.u32 v6, v4  }
0xdd: {  	v62 =	vshll.u32 v11, $0x3;
	v7 =	vshll.u32 v7, $0x1;
	v5 =	vor.u32 v58, v5  }
0xde: {  	v61 =	vshll.u32 v9, $0x1;
	v6 =	vshll.u32 v60, $0x3;
	v59 =	vor.u32 $0x1, v4  }
0xdf: {  	v7 =	vand.u32 $0x6, v7;
	v10 =	vor.u32 $0x1, v5;
	v6 =	vor.u32 v3, v6  }
0xe0: {  	v9 =	vor.u32 v3, v62;
	v6 =	vor.u32 v6, v7;
	v7 =	vand.u32 $0x6, v61  }
0xe1: {  	v7 =	vor.u32 v9, v7;
	v4 =	vld.idx.msk [tilespmem:v4+s29+$0x0], $0xffff  }
0xe2: {  	v63 =	vor.u32 $0x1, v6;
	v5 =	vld.idx.msk [tilespmem:v5+s29+$0x0], $0xffff  }
0xe3: {  	v9 =	vor.u32 $0x1, v7;
	v8 =	vld.idx.msk [tilespmem:v59+s29+$0x0], $0xffff  }
0xe4: {  	v10 =	vld.idx.msk [tilespmem:v10+s29+$0x0], $0xffff  }
0xe5: {  	v6 =	vld.idx.msk [tilespmem:v6+s29+$0x0], $0xffff  }
0xe6: {  	v7 =	vld.idx.msk [tilespmem:v7+s29+$0x0], $0xffff;
	[tilespmem:s15+$0x6800] =	vst v4  }
0xe7: {  	v4 =	vld.idx.msk [tilespmem:v63+s29+$0x0], $0xffff;
	[tilespmem:s15+$0x6810] =	vst v5  }
0xe8: {  	p3 =	por p1, p1;
	v5 =	vld.idx.msk [tilespmem:v9+s29+$0x0], $0xffff;
	[tilespmem:s15+$0x6880] =	vst v8  }
.Ltmp11:
0xe9: {  	[tilespmem:s15+$0x6890] =	vst v10;
	(pc) =	sbr.rel @p3 .LBB2_16-.Ltmp11, $4  }
0xea: {  	[tilespmem:s15+$0x6820] =	vst v6  }
0xeb: {  	[tilespmem:s15+$0x6830] =	vst v7  }
0xec: {  	[tilespmem:s15+$0x68A0] =	vst v4  }
0xed: {  	s14 =	simm.s32 $0x0;
	p1 =	por $0x0, $0x0;
	[tilespmem:s15+$0x68B0] =	vst v5;
	s15 =	simm.s32 $0x40  }
0xee: {  	s15 =	simm.s32 $0x0  }
.LBB2_18:
0xef: {  	v4 =	vld [tilespmem:s15+$0x4080]  }
0xf0: {  	v5 =	vld [tilespmem:s15+$0x4090]  }
0xf1: {  	s1 =	sor.u32 $0x80, s15  }
0xf2: {  	s28 =	sor.u32 $0x90, s15;
	v7 =	vld [tilespmem:s15+$0x40A0];
	s30 =	sor.u32 $0xA0, s15;
	s31 =	sor.u32 $0xB0, s15;
	v6 =	vmov s1  }
0xf3: {  	v9 =	vld [tilespmem:s15+$0x40B0];
	v8 =	vmov s28;
	v60 =	vmov s30;
	v11 =	vmov s31  }
0xf4: {  	v6 =	vshll.u32 v6, $0x3;
	v8 =	vshll.u32 v8, $0x3;
	v4 =	vshll.u32 v4, $0x1  }
0xf5: {  	v6 =	vor.u32 v3, v6;
	v5 =	vshll.u32 v5, $0x1;
	v4 =	vand.u32 $0x6, v4  }
0xf6: {  	v58 =	vor.u32 v3, v8;
	v5 =	vand.u32 $0x6, v5;
	v4 =	vor.u32 v6, v4  }
0xf7: {  	v62 =	vshll.u32 v11, $0x3;
	v7 =	vshll.u32 v7, $0x1;
	v5 =	vor.u32 v58, v5  }
0xf8: {  	v61 =	vshll.u32 v9, $0x1;
	v6 =	vshll.u32 v60, $0x3;
	v59 =	vor.u32 $0x1, v4  }
0xf9: {  	v7 =	vand.u32 $0x6, v7;
	v10 =	vor.u32 $0x1, v5;
	v6 =	vor.u32 v3, v6  }
0xfa: {  	v9 =	vor.u32 v3, v62;
	v6 =	vor.u32 v6, v7;
	v7 =	vand.u32 $0x6, v61  }
0xfb: {  	v7 =	vor.u32 v9, v7;
	v4 =	vld.idx.msk [tilespmem:v4+s29+$0x0], $0xffff  }
0xfc: {  	v63 =	vor.u32 $0x1, v6;
	v5 =	vld.idx.msk [tilespmem:v5+s29+$0x0], $0xffff  }
0xfd: {  	v9 =	vor.u32 $0x1, v7;
	v8 =	vld.idx.msk [tilespmem:v59+s29+$0x0], $0xffff  }
0xfe: {  	v10 =	vld.idx.msk [tilespmem:v10+s29+$0x0], $0xffff  }
0xff: {  	v6 =	vld.idx.msk [tilespmem:v6+s29+$0x0], $0xffff  }
0x100: {  	v7 =	vld.idx.msk [tilespmem:v7+s29+$0x0], $0xffff;
	[tilespmem:s15+$0x6900] =	vst v4  }
0x101: {  	v4 =	vld.idx.msk [tilespmem:v63+s29+$0x0], $0xffff;
	[tilespmem:s15+$0x6910] =	vst v5  }
0x102: {  	p3 =	por p2, p2;
	v5 =	vld.idx.msk [tilespmem:v9+s29+$0x0], $0xffff;
	[tilespmem:s15+$0x6980] =	vst v8  }
.Ltmp12:
0x103: {  	[tilespmem:s15+$0x6990] =	vst v10;
	(pc) =	sbr.rel @p3 .LBB2_18-.Ltmp12, $4  }
0x104: {  	[tilespmem:s15+$0x6920] =	vst v6  }
0x105: {  	[tilespmem:s15+$0x6930] =	vst v7  }
0x106: {  	[tilespmem:s15+$0x69A0] =	vst v4  }
0x107: {  	p1 =	por $0x1, $0x1;
	p2 =	por $0x0, $0x0;
	[tilespmem:s15+$0x69B0] =	vst v5;
	s15 =	simm.s32 $0x40  }
0x108: {  	p2 =	por $0x1, $0x1  }
.LBB2_20:
0x109: {  	v4 =	vld [tilespmem:s14+$0x4100]  }
0x10a: {  	v5 =	vld [tilespmem:s14+$0x4110]  }
0x10b: {  	s1 =	sor.u32 $0x100, s14  }
0x10c: {  	s16 =	sor.u32 $0x110, s14;
	v7 =	vld [tilespmem:s14+$0x4120];
	s30 =	sor.u32 $0x120, s14;
	s31 =	sor.u32 $0x130, s14;
	v6 =	vmov s1  }
0x10d: {  	v9 =	vld [tilespmem:s14+$0x4130];
	v8 =	vmov s16;
	v60 =	vmov s30;
	v11 =	vmov s31  }
0x10e: {  	v6 =	vshll.u32 v6, $0x3;
	v8 =	vshll.u32 v8, $0x3;
	v4 =	vshll.u32 v4, $0x1  }
0x10f: {  	v6 =	vor.u32 v3, v6;
	v5 =	vshll.u32 v5, $0x1;
	v4 =	vand.u32 $0x6, v4  }
0x110: {  	v58 =	vor.u32 v3, v8;
	v5 =	vand.u32 $0x6, v5;
	v4 =	vor.u32 v6, v4  }
0x111: {  	v62 =	vshll.u32 v11, $0x3;
	v7 =	vshll.u32 v7, $0x1;
	v5 =	vor.u32 v58, v5  }
0x112: {  	v61 =	vshll.u32 v9, $0x1;
	v6 =	vshll.u32 v60, $0x3;
	v59 =	vor.u32 $0x1, v4  }
0x113: {  	v7 =	vand.u32 $0x6, v7;
	v10 =	vor.u32 $0x1, v5;
	v6 =	vor.u32 v3, v6  }
0x114: {  	v9 =	vor.u32 v3, v62;
	v6 =	vor.u32 v6, v7;
	v7 =	vand.u32 $0x6, v61  }
0x115: {  	v7 =	vor.u32 v9, v7;
	v4 =	vld.idx.msk [tilespmem:v4+s29+$0x0], $0xffff  }
0x116: {  	v63 =	vor.u32 $0x1, v6;
	v5 =	vld.idx.msk [tilespmem:v5+s29+$0x0], $0xffff  }
0x117: {  	v9 =	vor.u32 $0x1, v7;
	v8 =	vld.idx.msk [tilespmem:v59+s29+$0x0], $0xffff  }
0x118: {  	v10 =	vld.idx.msk [tilespmem:v10+s29+$0x0], $0xffff  }
0x119: {  	v6 =	vld.idx.msk [tilespmem:v6+s29+$0x0], $0xffff  }
0x11a: {  	v7 =	vld.idx.msk [tilespmem:v7+s29+$0x0], $0xffff;
	[tilespmem:s14+$0x6A00] =	vst v4  }
0x11b: {  	v4 =	vld.idx.msk [tilespmem:v63+s29+$0x0], $0xffff;
	[tilespmem:s14+$0x6A10] =	vst v5  }
0x11c: {  	p3 =	por p2, p2;
	v5 =	vld.idx.msk [tilespmem:v9+s29+$0x0], $0xffff;
	[tilespmem:s14+$0x6A80] =	vst v8  }
.Ltmp13:
0x11d: {  	[tilespmem:s14+$0x6A90] =	vst v10;
	(pc) =	sbr.rel @p3 .LBB2_20-.Ltmp13, $4  }
0x11e: {  	[tilespmem:s14+$0x6A20] =	vst v6  }
0x11f: {  	[tilespmem:s14+$0x6A30] =	vst v7  }
0x120: {  	[tilespmem:s14+$0x6AA0] =	vst v4  }
0x121: {  	s28 =	simm.s32 $0x0;
	p2 =	por $0x0, $0x0;
	[tilespmem:s14+$0x6AB0] =	vst v5;
	s14 =	simm.s32 $0x40  }
0x122: {  	s14 =	simm.s32 $0x0  }
.LBB2_22:
0x123: {  	v4 =	vld [tilespmem:s14+$0x4180]  }
0x124: {  	v5 =	vld [tilespmem:s14+$0x4190]  }
0x125: {  	s1 =	sor.u32 $0x180, s14  }
0x126: {  	s16 =	sor.u32 $0x190, s14;
	v7 =	vld [tilespmem:s14+$0x41A0];
	s30 =	sor.u32 $0x1A0, s14;
	s31 =	sor.u32 $0x1B0, s14;
	v6 =	vmov s1  }
0x127: {  	v9 =	vld [tilespmem:s14+$0x41B0];
	v8 =	vmov s16;
	v60 =	vmov s30;
	v11 =	vmov s31  }
0x128: {  	v6 =	vshll.u32 v6, $0x3;
	v8 =	vshll.u32 v8, $0x3;
	v4 =	vshll.u32 v4, $0x1  }
0x129: {  	v6 =	vor.u32 v3, v6;
	v5 =	vshll.u32 v5, $0x1;
	v4 =	vand.u32 $0x6, v4  }
0x12a: {  	v58 =	vor.u32 v3, v8;
	v5 =	vand.u32 $0x6, v5;
	v4 =	vor.u32 v6, v4  }
0x12b: {  	v62 =	vshll.u32 v11, $0x3;
	v7 =	vshll.u32 v7, $0x1;
	v5 =	vor.u32 v58, v5  }
0x12c: {  	v61 =	vshll.u32 v9, $0x1;
	v6 =	vshll.u32 v60, $0x3;
	v59 =	vor.u32 $0x1, v4  }
0x12d: {  	v7 =	vand.u32 $0x6, v7;
	v10 =	vor.u32 $0x1, v5;
	v6 =	vor.u32 v3, v6  }
0x12e: {  	v9 =	vor.u32 v3, v62;
	v6 =	vor.u32 v6, v7;
	v7 =	vand.u32 $0x6, v61  }
0x12f: {  	v7 =	vor.u32 v9, v7;
	v4 =	vld.idx.msk [tilespmem:v4+s29+$0x0], $0xffff  }
0x130: {  	v63 =	vor.u32 $0x1, v6;
	v5 =	vld.idx.msk [tilespmem:v5+s29+$0x0], $0xffff  }
0x131: {  	v9 =	vor.u32 $0x1, v7;
	v8 =	vld.idx.msk [tilespmem:v59+s29+$0x0], $0xffff  }
0x132: {  	v10 =	vld.idx.msk [tilespmem:v10+s29+$0x0], $0xffff  }
0x133: {  	v6 =	vld.idx.msk [tilespmem:v6+s29+$0x0], $0xffff  }
0x134: {  	v7 =	vld.idx.msk [tilespmem:v7+s29+$0x0], $0xffff;
	[tilespmem:s14+$0x6B00] =	vst v4  }
0x135: {  	v4 =	vld.idx.msk [tilespmem:v63+s29+$0x0], $0xffff;
	[tilespmem:s14+$0x6B10] =	vst v5  }
0x136: {  	p3 =	por p1, p1;
	v5 =	vld.idx.msk [tilespmem:v9+s29+$0x0], $0xffff;
	[tilespmem:s14+$0x6B80] =	vst v8  }
.Ltmp14:
0x137: {  	[tilespmem:s14+$0x6B90] =	vst v10;
	(pc) =	sbr.rel @p3 .LBB2_22-.Ltmp14, $4  }
0x138: {  	[tilespmem:s14+$0x6B20] =	vst v6  }
0x139: {  	[tilespmem:s14+$0x6B30] =	vst v7  }
0x13a: {  	[tilespmem:s14+$0x6BA0] =	vst v4  }
0x13b: {  	p2 =	por $0x1, $0x1;
	p1 =	por $0x0, $0x0;
	[tilespmem:s14+$0x6BB0] =	vst v5;
	s14 =	simm.s32 $0x40  }
0x13c: {  	p1 =	por $0x1, $0x1  }
.LBB2_24:
0x13d: {  	v4 =	vld [tilespmem:s28+$0x4200]  }
0x13e: {  	v5 =	vld [tilespmem:s28+$0x4210]  }
0x13f: {  	s1 =	sor.u32 $0x200, s28  }
0x140: {  	s16 =	sor.u32 $0x210, s28;
	v7 =	vld [tilespmem:s28+$0x4220];
	s30 =	sor.u32 $0x220, s28;
	s31 =	sor.u32 $0x230, s28;
	v6 =	vmov s1  }
0x141: {  	v9 =	vld [tilespmem:s28+$0x4230];
	v8 =	vmov s16;
	v60 =	vmov s30;
	v11 =	vmov s31  }
0x142: {  	v6 =	vshll.u32 v6, $0x3;
	v8 =	vshll.u32 v8, $0x3;
	v4 =	vshll.u32 v4, $0x1  }
0x143: {  	v6 =	vor.u32 v3, v6;
	v5 =	vshll.u32 v5, $0x1;
	v4 =	vand.u32 $0x6, v4  }
0x144: {  	v58 =	vor.u32 v3, v8;
	v5 =	vand.u32 $0x6, v5;
	v4 =	vor.u32 v6, v4  }
0x145: {  	v62 =	vshll.u32 v11, $0x3;
	v7 =	vshll.u32 v7, $0x1;
	v5 =	vor.u32 v58, v5  }
0x146: {  	v61 =	vshll.u32 v9, $0x1;
	v6 =	vshll.u32 v60, $0x3;
	v59 =	vor.u32 $0x1, v4  }
0x147: {  	v7 =	vand.u32 $0x6, v7;
	v10 =	vor.u32 $0x1, v5;
	v6 =	vor.u32 v3, v6  }
0x148: {  	v9 =	vor.u32 v3, v62;
	v6 =	vor.u32 v6, v7;
	v7 =	vand.u32 $0x6, v61  }
0x149: {  	v7 =	vor.u32 v9, v7;
	v4 =	vld.idx.msk [tilespmem:v4+s29+$0x0], $0xffff  }
0x14a: {  	v63 =	vor.u32 $0x1, v6;
	v5 =	vld.idx.msk [tilespmem:v5+s29+$0x0], $0xffff  }
0x14b: {  	v9 =	vor.u32 $0x1, v7;
	v8 =	vld.idx.msk [tilespmem:v59+s29+$0x0], $0xffff  }
0x14c: {  	v10 =	vld.idx.msk [tilespmem:v10+s29+$0x0], $0xffff  }
0x14d: {  	v6 =	vld.idx.msk [tilespmem:v6+s29+$0x0], $0xffff  }
0x14e: {  	v7 =	vld.idx.msk [tilespmem:v7+s29+$0x0], $0xffff;
	[tilespmem:s28+$0x6C00] =	vst v4  }
0x14f: {  	v4 =	vld.idx.msk [tilespmem:v63+s29+$0x0], $0xffff;
	[tilespmem:s28+$0x6C10] =	vst v5  }
0x150: {  	p3 =	por p1, p1;
	v5 =	vld.idx.msk [tilespmem:v9+s29+$0x0], $0xffff;
	[tilespmem:s28+$0x6C80] =	vst v8  }
.Ltmp15:
0x151: {  	[tilespmem:s28+$0x6C90] =	vst v10;
	(pc) =	sbr.rel @p3 .LBB2_24-.Ltmp15, $4  }
0x152: {  	[tilespmem:s28+$0x6C20] =	vst v6  }
0x153: {  	[tilespmem:s28+$0x6C30] =	vst v7  }
0x154: {  	[tilespmem:s28+$0x6CA0] =	vst v4  }
0x155: {  	s14 =	simm.s32 $0x0;
	p1 =	por $0x0, $0x0;
	[tilespmem:s28+$0x6CB0] =	vst v5;
	s28 =	simm.s32 $0x40  }
0x156: {  	s15 =	simm.s32 $0x0  }
.LBB2_26:
0x157: {  	v4 =	vld [tilespmem:s15+$0x4280]  }
0x158: {  	v5 =	vld [tilespmem:s15+$0x4290]  }
0x159: {  	s1 =	sor.u32 $0x280, s15  }
0x15a: {  	s28 =	sor.u32 $0x290, s15;
	v7 =	vld [tilespmem:s15+$0x42A0];
	s30 =	sor.u32 $0x2A0, s15;
	s31 =	sor.u32 $0x2B0, s15;
	v6 =	vmov s1  }
0x15b: {  	v9 =	vld [tilespmem:s15+$0x42B0];
	v8 =	vmov s28;
	v60 =	vmov s30;
	v11 =	vmov s31  }
0x15c: {  	v6 =	vshll.u32 v6, $0x3;
	v8 =	vshll.u32 v8, $0x3;
	v4 =	vshll.u32 v4, $0x1  }
0x15d: {  	v6 =	vor.u32 v3, v6;
	v5 =	vshll.u32 v5, $0x1;
	v4 =	vand.u32 $0x6, v4  }
0x15e: {  	v58 =	vor.u32 v3, v8;
	v5 =	vand.u32 $0x6, v5;
	v4 =	vor.u32 v6, v4  }
0x15f: {  	v62 =	vshll.u32 v11, $0x3;
	v7 =	vshll.u32 v7, $0x1;
	v5 =	vor.u32 v58, v5  }
0x160: {  	v61 =	vshll.u32 v9, $0x1;
	v6 =	vshll.u32 v60, $0x3;
	v59 =	vor.u32 $0x1, v4  }
0x161: {  	v7 =	vand.u32 $0x6, v7;
	v10 =	vor.u32 $0x1, v5;
	v6 =	vor.u32 v3, v6  }
0x162: {  	v9 =	vor.u32 v3, v62;
	v6 =	vor.u32 v6, v7;
	v7 =	vand.u32 $0x6, v61  }
0x163: {  	v7 =	vor.u32 v9, v7;
	v4 =	vld.idx.msk [tilespmem:v4+s29+$0x0], $0xffff  }
0x164: {  	v63 =	vor.u32 $0x1, v6;
	v5 =	vld.idx.msk [tilespmem:v5+s29+$0x0], $0xffff  }
0x165: {  	v9 =	vor.u32 $0x1, v7;
	v8 =	vld.idx.msk [tilespmem:v59+s29+$0x0], $0xffff  }
0x166: {  	v10 =	vld.idx.msk [tilespmem:v10+s29+$0x0], $0xffff  }
0x167: {  	v6 =	vld.idx.msk [tilespmem:v6+s29+$0x0], $0xffff  }
0x168: {  	v7 =	vld.idx.msk [tilespmem:v7+s29+$0x0], $0xffff;
	[tilespmem:s15+$0x6D00] =	vst v4  }
0x169: {  	v4 =	vld.idx.msk [tilespmem:v63+s29+$0x0], $0xffff;
	[tilespmem:s15+$0x6D10] =	vst v5  }
0x16a: {  	p3 =	por p2, p2;
	v5 =	vld.idx.msk [tilespmem:v9+s29+$0x0], $0xffff;
	[tilespmem:s15+$0x6D80] =	vst v8  }
.Ltmp16:
0x16b: {  	[tilespmem:s15+$0x6D90] =	vst v10;
	(pc) =	sbr.rel @p3 .LBB2_26-.Ltmp16, $4  }
0x16c: {  	[tilespmem:s15+$0x6D20] =	vst v6  }
0x16d: {  	[tilespmem:s15+$0x6D30] =	vst v7  }
0x16e: {  	[tilespmem:s15+$0x6DA0] =	vst v4  }
0x16f: {  	p1 =	por $0x1, $0x1;
	p2 =	por $0x0, $0x0;
	[tilespmem:s15+$0x6DB0] =	vst v5;
	s15 =	simm.s32 $0x40  }
0x170: {  	p2 =	por $0x1, $0x1  }
.LBB2_28:
0x171: {  	v4 =	vld [tilespmem:s14+$0x4300]  }
0x172: {  	v5 =	vld [tilespmem:s14+$0x4310]  }
0x173: {  	s1 =	sor.u32 $0x300, s14  }
0x174: {  	s28 =	sor.u32 $0x310, s14;
	v7 =	vld [tilespmem:s14+$0x4320];
	s30 =	sor.u32 $0x320, s14;
	s31 =	sor.u32 $0x330, s14;
	v6 =	vmov s1  }
0x175: {  	v9 =	vld [tilespmem:s14+$0x4330];
	v8 =	vmov s28;
	v60 =	vmov s30;
	v11 =	vmov s31  }
0x176: {  	v6 =	vshll.u32 v6, $0x3;
	v8 =	vshll.u32 v8, $0x3;
	v4 =	vshll.u32 v4, $0x1  }
0x177: {  	v6 =	vor.u32 v3, v6;
	v5 =	vshll.u32 v5, $0x1;
	v4 =	vand.u32 $0x6, v4  }
0x178: {  	v58 =	vor.u32 v3, v8;
	v5 =	vand.u32 $0x6, v5;
	v4 =	vor.u32 v6, v4  }
0x179: {  	v62 =	vshll.u32 v11, $0x3;
	v7 =	vshll.u32 v7, $0x1;
	v5 =	vor.u32 v58, v5  }
0x17a: {  	v61 =	vshll.u32 v9, $0x1;
	v6 =	vshll.u32 v60, $0x3;
	v59 =	vor.u32 $0x1, v4  }
0x17b: {  	v7 =	vand.u32 $0x6, v7;
	v10 =	vor.u32 $0x1, v5;
	v6 =	vor.u32 v3, v6  }
0x17c: {  	v9 =	vor.u32 v3, v62;
	v6 =	vor.u32 v6, v7;
	v7 =	vand.u32 $0x6, v61  }
0x17d: {  	v7 =	vor.u32 v9, v7;
	v4 =	vld.idx.msk [tilespmem:v4+s29+$0x0], $0xffff  }
0x17e: {  	v63 =	vor.u32 $0x1, v6;
	v5 =	vld.idx.msk [tilespmem:v5+s29+$0x0], $0xffff  }
0x17f: {  	v9 =	vor.u32 $0x1, v7;
	v8 =	vld.idx.msk [tilespmem:v59+s29+$0x0], $0xffff  }
0x180: {  	v10 =	vld.idx.msk [tilespmem:v10+s29+$0x0], $0xffff  }
0x181: {  	v6 =	vld.idx.msk [tilespmem:v6+s29+$0x0], $0xffff  }
0x182: {  	v7 =	vld.idx.msk [tilespmem:v7+s29+$0x0], $0xffff;
	[tilespmem:s14+$0x6E00] =	vst v4  }
0x183: {  	v4 =	vld.idx.msk [tilespmem:v63+s29+$0x0], $0xffff;
	[tilespmem:s14+$0x6E10] =	vst v5  }
0x184: {  	p3 =	por p2, p2;
	v5 =	vld.idx.msk [tilespmem:v9+s29+$0x0], $0xffff;
	[tilespmem:s14+$0x6E80] =	vst v8  }
.Ltmp17:
0x185: {  	[tilespmem:s14+$0x6E90] =	vst v10;
	(pc) =	sbr.rel @p3 .LBB2_28-.Ltmp17, $4  }
0x186: {  	[tilespmem:s14+$0x6E20] =	vst v6  }
0x187: {  	[tilespmem:s14+$0x6E30] =	vst v7  }
0x188: {  	[tilespmem:s14+$0x6EA0] =	vst v4  }
0x189: {  	s15 =	simm.s32 $0x0;
	p2 =	por $0x0, $0x0;
	[tilespmem:s14+$0x6EB0] =	vst v5;
	s14 =	simm.s32 $0x40  }
.LBB2_29:
0x18a: {  	v4 =	vld [tilespmem:s15+$0x4380]  }
0x18b: {  	v5 =	vld [tilespmem:s15+$0x4390]  }
0x18c: {  	s1 =	sor.u32 $0x380, s15  }
0x18d: {  	s28 =	sor.u32 $0x390, s15;
	v7 =	vld [tilespmem:s15+$0x43A0];
	s30 =	sor.u32 $0x3A0, s15;
	s31 =	sor.u32 $0x3B0, s15;
	v6 =	vmov s1  }
0x18e: {  	v9 =	vld [tilespmem:s15+$0x43B0];
	v8 =	vmov s28;
	v60 =	vmov s30;
	v11 =	vmov s31  }
0x18f: {  	v6 =	vshll.u32 v6, $0x3;
	v8 =	vshll.u32 v8, $0x3;
	v4 =	vshll.u32 v4, $0x1  }
0x190: {  	v6 =	vor.u32 v3, v6;
	v5 =	vshll.u32 v5, $0x1;
	v4 =	vand.u32 $0x6, v4  }
0x191: {  	v58 =	vor.u32 v3, v8;
	v5 =	vand.u32 $0x6, v5;
	v4 =	vor.u32 v6, v4  }
0x192: {  	v62 =	vshll.u32 v11, $0x3;
	v7 =	vshll.u32 v7, $0x1;
	v5 =	vor.u32 v58, v5  }
0x193: {  	v61 =	vshll.u32 v9, $0x1;
	v6 =	vshll.u32 v60, $0x3;
	v59 =	vor.u32 $0x1, v4  }
0x194: {  	v7 =	vand.u32 $0x6, v7;
	v10 =	vor.u32 $0x1, v5;
	v6 =	vor.u32 v3, v6  }
0x195: {  	v9 =	vor.u32 v3, v62;
	v6 =	vor.u32 v6, v7;
	v7 =	vand.u32 $0x6, v61  }
0x196: {  	v7 =	vor.u32 v9, v7;
	v4 =	vld.idx.msk [tilespmem:v4+s29+$0x0], $0xffff  }
0x197: {  	v63 =	vor.u32 $0x1, v6;
	v5 =	vld.idx.msk [tilespmem:v5+s29+$0x0], $0xffff  }
0x198: {  	v9 =	vor.u32 $0x1, v7;
	v8 =	vld.idx.msk [tilespmem:v59+s29+$0x0], $0xffff  }
0x199: {  	v10 =	vld.idx.msk [tilespmem:v10+s29+$0x0], $0xffff  }
0x19a: {  	v6 =	vld.idx.msk [tilespmem:v6+s29+$0x0], $0xffff  }
0x19b: {  	v7 =	vld.idx.msk [tilespmem:v7+s29+$0x0], $0xffff;
	[tilespmem:s15+$0x6F00] =	vst v4  }
0x19c: {  	v4 =	vld.idx.msk [tilespmem:v63+s29+$0x0], $0xffff;
	[tilespmem:s15+$0x6F10] =	vst v5  }
0x19d: {  	p2 =	por p1, p1;
	v5 =	vld.idx.msk [tilespmem:v9+s29+$0x0], $0xffff;
	[tilespmem:s15+$0x6F80] =	vst v8  }
.Ltmp18:
0x19e: {  	[tilespmem:s15+$0x6F90] =	vst v10;
	(pc) =	sbr.rel @p2 .LBB2_29-.Ltmp18, $4  }
0x19f: {  	[tilespmem:s15+$0x6F20] =	vst v6  }
0x1a0: {  	[tilespmem:s15+$0x6F30] =	vst v7  }
0x1a1: {  	[tilespmem:s15+$0x6FA0] =	vst v4  }
0x1a2: {  	p1 =	por $0x0, $0x0;
	[tilespmem:s15+$0x6FB0] =	vst v5;
	s15 =	simm.s32 $0x40  }
0x1a3: {  	p1 =	seq.s32 s22, $0x31  }
.Ltmp19:
0x1a4: {  	_ = 	snop;
	(pc) =	sbr.rel @p1 .LBB2_34-.Ltmp19, $1  }
0x1a5: {  	_ =	sdelay $0x3  }
0x1a6: {  	s1 =	sshll.u32 s24, $0x7  }
0x1a7: {  	s1 =	sadd.s32 s1, s10  }
0x1a8: {  	[tilespmem:s17], [sflag:$0x9] =	stream.linear.gather [hbm4b:s1+s4], $0x400, $0x38;
	[tilespmem:$0xA000] =	vst v63  }
0x1a9: {  	_ =	swait.ge [sflag:s25], $0x400  }
0x1aa: {  	[sflag:s25] =	ssyncset.done $0x0  }
0x1ab: {  	s31 =	simm.s32 $0x4020;
	[sflag:s25] =	ssyncadd.s32 $0xFFFFFC00  }
0x1ac: {  	v4 =	vld [tilespmem:s31+$0xFFFFFFE0]  }
0x1ad: {  	v6 =	vld [tilespmem:s31+$0x0]  }
0x1ae: {  	v5 =	vld [tilespmem:s31+$0x10]  }
0x1af: {  	v7 =	vld [tilespmem:s31+$0xFFFFFFF0];
	_ =	sdelay $0x1  }
0x1b0: {  	s14 =	simm.s32 $0x4420;
	s15 =	simm.s32 $0x4060;
	v8 =	vshrl.u32 v4, $0x2  }
0x1b1: {  	v4 =	vld [tilespmem:s15+$0xFFFFFFE0];
	v9 =	vshrl.u32 v6, $0x2;
	[tilespmem:s14+$0xFFFFFFE0] =	vst v8  }
0x1b2: {  	v6 =	vld [tilespmem:s15+$0x0];
	v8 =	vshrl.u32 v5, $0x2;
	[tilespmem:s14+$0x0] =	vst v9  }
0x1b3: {  	s16 =	simm.s32 $0x4;
	v7 =	vshrl.u32 v7, $0x2;
	v5 =	vld [tilespmem:s15+$0x10];
	[tilespmem:s14+$0x10] =	vst v8  }
.LBB2_32:
0x1b4: {  	s16 =	sadd.s32 $0x4, s16  }
0x1b5: {  	v8 =	vld [tilespmem:s15+$0xFFFFFFF0];
	[tilespmem:s14+$0xFFFFFFF0] =	vst v7;
	s14 =	sadd.s32 $0x40, s14;
	p2 =	slt.u32 s16, $0x3C  }
.Ltmp20:
0x1b6: {  	(pc) =	sbr.rel @p2 .LBB2_32-.Ltmp20, $4  }
0x1b7: {  	s15 =	sadd.s32 $0x40, s15;
	v7 =	vshrl.u32 v4, $0x2  }
0x1b8: {  	v4 =	vld [tilespmem:s15+$0xFFFFFFE0];
	[tilespmem:s14+$0xFFFFFFE0] =	vst v7;
	v7 =	vshrl.u32 v5, $0x2  }
0x1b9: {  	v5 =	vld [tilespmem:s15+$0x10];
	v9 =	vshrl.u32 v6, $0x2;
	[tilespmem:s14+$0x10] =	vst v7  }
0x1ba: {  	v6 =	vld [tilespmem:s15+$0x0];
	v7 =	vshrl.u32 v8, $0x2;
	[tilespmem:s14+$0x0] =	vst v9  }
0x1bb: {  	v8 =	vld [tilespmem:s15+$0xFFFFFFF0];
	_ =	sdelay $0x1  }
0x1bc: {  	[tilespmem:s14+$0xFFFFFFF0] =	vst v7;
	s1 =	sadd.s32 $0x40, s14;
	v4 =	vshrl.u32 v4, $0x2  }
0x1bd: {  	[tilespmem:s1+$0xFFFFFFE0] =	vst v4;
	v4 =	vshrl.u32 v5, $0x2  }
0x1be: {  	v5 =	vshrl.u32 v6, $0x2;
	[tilespmem:s1+$0x10] =	vst v4  }
0x1bf: {  	v4 =	vshrl.u32 v8, $0x2;
	[tilespmem:s1+$0x0] =	vst v5  }
0x1c0: {  	[tilespmem:s1+$0xFFFFFFF0] =	vst v4  }
0x1c1: {  	[tilespmem:s29], [sflag:$0x5] =	stream.indirect.gather [hbm4b:s2+s23], $0x8, s26, s23, $0xb8;
	[tilespmem:$0xA000] =	vst v63  }
.LBB2_34:
0x1c2: {  	s1 =	sshrl.u32 s24, $0x7  }
0x1c3: {  	s28 =	sshll.u32 s24, $0x8;
	s6 =	sshll.u32 s1, $0xF  }
0x1c4: {  	s30 =	sshll.u32 s1, $0x12;
	s16 =	ssub.s32 s28, s6  }
0x1c5: {  	s1 =	sadd.s32 s30, s16  }
0x1c6: {  	s1 =	sshrl.u32 s1, $0x3  }
0x1c7: {  	s14 =	simm.s32 $0x6800;
	s1 =	sadd.s32 s5, s1  }
0x1c8: {  	[hbm4b:s1+s9] =	stream.strided.scatter [tilespmem:s14], [sflag:$0x6], $0x800, s13, s9, $0x38;
	[tilespmem:$0xA000] =	vst v63  }
0x1c9: {  	_ =	swait.ge [sflag:s7], $0x2000  }
0x1ca: {  	[sflag:s7] =	ssyncset.done $0x0  }
0x1cb: {  	s1 =	simm.s32 @!p0 $0x8;
	[sflag:s7] =	ssyncadd.s32 $0xFFFFE000  }
0x1cc: {  	s15 =	simm.s32 $0x0;
	_ =	swait.ge @!p0 [sflag:s1], $0x800  }
0x1cd: {  	p2 =	por $0x1, $0x1;
	s31 =	ssub.s32 $0x0, s6;
	[sflag:s1] =	ssyncset.done @!p0 $0x0  }
0x1ce: {  	s14 =	simm.s32 $0x0;
	[sflag:s1] =	ssyncadd.s32 @!p0 $0xFFFFF800;
	p0 =	por $0x1, $0x1  }
.LBB2_35:
0x1cf: {  	v4 =	vld [tilespmem:s14+$0x7000]  }
0x1d0: {  	v5 =	vld [tilespmem:s14+$0x7010];
	_ =	sdelay $0x1  }
0x1d1: {  	v6 =	vmov s14;
	s1 =	sor.u32 $0x10, s14;
	v7 =	vld [tilespmem:s14+$0x7020];
	s6 =	sor.u32 $0x20, s14  }
0x1d2: {  	v9 =	vld [tilespmem:s14+$0x7030];
	s16 =	sor.u32 $0x30, s14;
	v6 =	vshll.u32 v6, $0x3;
	v8 =	vmov s1;
	v60 =	vmov s6  }
0x1d3: {  	v11 =	vmov s16;
	v6 =	vor.u32 v3, v6;
	v4 =	vshll.u32 v4, $0x1  }
0x1d4: {  	v8 =	vshll.u32 v8, $0x3;
	v5 =	vshll.u32 v5, $0x1;
	v4 =	vand.u32 $0x6, v4  }
0x1d5: {  	v58 =	vor.u32 v3, v8;
	v5 =	vand.u32 $0x6, v5;
	v4 =	vor.u32 v6, v4  }
0x1d6: {  	v62 =	vshll.u32 v11, $0x3;
	v7 =	vshll.u32 v7, $0x1;
	v5 =	vor.u32 v58, v5  }
0x1d7: {  	v61 =	vshll.u32 v9, $0x1;
	v6 =	vshll.u32 v60, $0x3;
	v59 =	vor.u32 $0x1, v4  }
0x1d8: {  	v7 =	vand.u32 $0x6, v7;
	v10 =	vor.u32 $0x1, v5;
	v6 =	vor.u32 v3, v6  }
0x1d9: {  	v9 =	vor.u32 v3, v62;
	v6 =	vor.u32 v6, v7;
	v7 =	vand.u32 $0x6, v61  }
0x1da: {  	v7 =	vor.u32 v9, v7;
	v4 =	vld.idx.msk [tilespmem:v4+s0+$0x0], $0xffff  }
0x1db: {  	v63 =	vor.u32 $0x1, v6;
	v5 =	vld.idx.msk [tilespmem:v5+s0+$0x0], $0xffff  }
0x1dc: {  	v9 =	vor.u32 $0x1, v7;
	v8 =	vld.idx.msk [tilespmem:v59+s0+$0x0], $0xffff  }
0x1dd: {  	v10 =	vld.idx.msk [tilespmem:v10+s0+$0x0], $0xffff  }
0x1de: {  	v6 =	vld.idx.msk [tilespmem:v6+s0+$0x0], $0xffff  }
0x1df: {  	v7 =	vld.idx.msk [tilespmem:v7+s0+$0x0], $0xffff;
	[tilespmem:s14+$0x9800] =	vst v4  }
0x1e0: {  	v4 =	vld.idx.msk [tilespmem:v63+s0+$0x0], $0xffff;
	[tilespmem:s14+$0x9810] =	vst v5  }
0x1e1: {  	p3 =	por p0, p0;
	v5 =	vld.idx.msk [tilespmem:v9+s0+$0x0], $0xffff;
	[tilespmem:s14+$0x9880] =	vst v8  }
.Ltmp21:
0x1e2: {  	[tilespmem:s14+$0x9890] =	vst v10;
	(pc) =	sbr.rel @p3 .LBB2_35-.Ltmp21, $4  }
0x1e3: {  	[tilespmem:s14+$0x9820] =	vst v6  }
0x1e4: {  	[tilespmem:s14+$0x9830] =	vst v7  }
0x1e5: {  	[tilespmem:s14+$0x98A0] =	vst v4  }
0x1e6: {  	p0 =	por $0x0, $0x0;
	[tilespmem:s14+$0x98B0] =	vst v5;
	s14 =	simm.s32 $0x40  }
.LBB2_36:
0x1e7: {  	v4 =	vld [tilespmem:s15+$0x7080]  }
0x1e8: {  	v5 =	vld [tilespmem:s15+$0x7090]  }
0x1e9: {  	s1 =	sor.u32 $0x80, s15  }
0x1ea: {  	s6 =	sor.u32 $0x90, s15;
	v7 =	vld [tilespmem:s15+$0x70A0];
	s14 =	sor.u32 $0xA0, s15;
	s16 =	sor.u32 $0xB0, s15;
	v6 =	vmov s1  }
0x1eb: {  	v9 =	vld [tilespmem:s15+$0x70B0];
	v8 =	vmov s6;
	v60 =	vmov s14;
	v11 =	vmov s16  }
0x1ec: {  	v6 =	vshll.u32 v6, $0x3;
	v8 =	vshll.u32 v8, $0x3;
	v4 =	vshll.u32 v4, $0x1  }
0x1ed: {  	v6 =	vor.u32 v3, v6;
	v5 =	vshll.u32 v5, $0x1;
	v4 =	vand.u32 $0x6, v4  }
0x1ee: {  	v58 =	vor.u32 v3, v8;
	v5 =	vand.u32 $0x6, v5;
	v4 =	vor.u32 v6, v4  }
0x1ef: {  	v62 =	vshll.u32 v11, $0x3;
	v7 =	vshll.u32 v7, $0x1;
	v5 =	vor.u32 v58, v5  }
0x1f0: {  	v61 =	vshll.u32 v9, $0x1;
	v6 =	vshll.u32 v60, $0x3;
	v59 =	vor.u32 $0x1, v4  }
0x1f1: {  	v7 =	vand.u32 $0x6, v7;
	v10 =	vor.u32 $0x1, v5;
	v6 =	vor.u32 v3, v6  }
0x1f2: {  	v9 =	vor.u32 v3, v62;
	v6 =	vor.u32 v6, v7;
	v7 =	vand.u32 $0x6, v61  }
0x1f3: {  	v7 =	vor.u32 v9, v7;
	v4 =	vld.idx.msk [tilespmem:v4+s0+$0x0], $0xffff  }
0x1f4: {  	v63 =	vor.u32 $0x1, v6;
	v5 =	vld.idx.msk [tilespmem:v5+s0+$0x0], $0xffff  }
0x1f5: {  	v9 =	vor.u32 $0x1, v7;
	v8 =	vld.idx.msk [tilespmem:v59+s0+$0x0], $0xffff  }
0x1f6: {  	v10 =	vld.idx.msk [tilespmem:v10+s0+$0x0], $0xffff  }
0x1f7: {  	v6 =	vld.idx.msk [tilespmem:v6+s0+$0x0], $0xffff  }
0x1f8: {  	v7 =	vld.idx.msk [tilespmem:v7+s0+$0x0], $0xffff;
	[tilespmem:s15+$0x9900] =	vst v4  }
0x1f9: {  	v4 =	vld.idx.msk [tilespmem:v63+s0+$0x0], $0xffff;
	[tilespmem:s15+$0x9910] =	vst v5  }
0x1fa: {  	p3 =	por p2, p2;
	v5 =	vld.idx.msk [tilespmem:v9+s0+$0x0], $0xffff;
	[tilespmem:s15+$0x9980] =	vst v8  }
.Ltmp22:
0x1fb: {  	[tilespmem:s15+$0x9990] =	vst v10;
	(pc) =	sbr.rel @p3 .LBB2_36-.Ltmp22, $4  }
0x1fc: {  	[tilespmem:s15+$0x9920] =	vst v6  }
0x1fd: {  	[tilespmem:s15+$0x9930] =	vst v7  }
0x1fe: {  	p0 =	por $0x1, $0x1;
	[tilespmem:s15+$0x99A0] =	vst v4  }
0x1ff: {  	p2 =	por $0x0, $0x0;
	s14 =	simm.s32 $0x0;
	[tilespmem:s15+$0x99B0] =	vst v5;
	s15 =	simm.s32 $0x40  }
0x200: {  	p2 =	por $0x1, $0x1;
	s15 =	simm.s32 $0x0  }
.LBB2_38:
0x201: {  	v4 =	vld [tilespmem:s15+$0x7100]  }
0x202: {  	v5 =	vld [tilespmem:s15+$0x7110]  }
0x203: {  	s1 =	sor.u32 $0x100, s15  }
0x204: {  	s16 =	sor.u32 $0x110, s15;
	v7 =	vld [tilespmem:s15+$0x7120];
	s6 =	sor.u32 $0x120, s15;
	v6 =	vmov s1  }
0x205: {  	v9 =	vld [tilespmem:s15+$0x7130];
	v8 =	vmov s16;
	v60 =	vmov s6;
	s16 =	sor.u32 $0x130, s15;
	v6 =	vshll.u32 v6, $0x3  }
0x206: {  	v8 =	vshll.u32 v8, $0x3;
	v11 =	vmov s16;
	v4 =	vshll.u32 v4, $0x1  }
0x207: {  	v6 =	vor.u32 v3, v6;
	v5 =	vshll.u32 v5, $0x1;
	v4 =	vand.u32 $0x6, v4  }
0x208: {  	v58 =	vor.u32 v3, v8;
	v5 =	vand.u32 $0x6, v5;
	v4 =	vor.u32 v6, v4  }
0x209: {  	v62 =	vshll.u32 v11, $0x3;
	v7 =	vshll.u32 v7, $0x1;
	v5 =	vor.u32 v58, v5  }
0x20a: {  	v61 =	vshll.u32 v9, $0x1;
	v6 =	vshll.u32 v60, $0x3;
	v59 =	vor.u32 $0x1, v4  }
0x20b: {  	v7 =	vand.u32 $0x6, v7;
	v10 =	vor.u32 $0x1, v5;
	v6 =	vor.u32 v3, v6  }
0x20c: {  	v9 =	vor.u32 v3, v62;
	v6 =	vor.u32 v6, v7;
	v7 =	vand.u32 $0x6, v61  }
0x20d: {  	v7 =	vor.u32 v9, v7;
	v4 =	vld.idx.msk [tilespmem:v4+s0+$0x0], $0xffff  }
0x20e: {  	v63 =	vor.u32 $0x1, v6;
	v5 =	vld.idx.msk [tilespmem:v5+s0+$0x0], $0xffff  }
0x20f: {  	v9 =	vor.u32 $0x1, v7;
	v8 =	vld.idx.msk [tilespmem:v59+s0+$0x0], $0xffff  }
0x210: {  	v10 =	vld.idx.msk [tilespmem:v10+s0+$0x0], $0xffff  }
0x211: {  	v6 =	vld.idx.msk [tilespmem:v6+s0+$0x0], $0xffff  }
0x212: {  	v7 =	vld.idx.msk [tilespmem:v7+s0+$0x0], $0xffff;
	[tilespmem:s15+$0x9A00] =	vst v4  }
0x213: {  	v4 =	vld.idx.msk [tilespmem:v63+s0+$0x0], $0xffff;
	[tilespmem:s15+$0x9A10] =	vst v5  }
0x214: {  	p3 =	por p2, p2;
	v5 =	vld.idx.msk [tilespmem:v9+s0+$0x0], $0xffff;
	[tilespmem:s15+$0x9A80] =	vst v8  }
.Ltmp23:
0x215: {  	[tilespmem:s15+$0x9A90] =	vst v10;
	(pc) =	sbr.rel @p3 .LBB2_38-.Ltmp23, $4  }
0x216: {  	[tilespmem:s15+$0x9A20] =	vst v6  }
0x217: {  	[tilespmem:s15+$0x9A30] =	vst v7  }
0x218: {  	[tilespmem:s15+$0x9AA0] =	vst v4  }
0x219: {  	p2 =	por $0x0, $0x0;
	[tilespmem:s15+$0x9AB0] =	vst v5;
	s15 =	simm.s32 $0x40  }
.LBB2_39:
0x21a: {  	v4 =	vld [tilespmem:s14+$0x7180]  }
0x21b: {  	v5 =	vld [tilespmem:s14+$0x7190]  }
0x21c: {  	s1 =	sor.u32 $0x180, s14  }
0x21d: {  	s6 =	sor.u32 $0x190, s14;
	v7 =	vld [tilespmem:s14+$0x71A0];
	s15 =	sor.u32 $0x1A0, s14;
	s16 =	sor.u32 $0x1B0, s14;
	v6 =	vmov s1  }
0x21e: {  	v9 =	vld [tilespmem:s14+$0x71B0];
	v8 =	vmov s6;
	v60 =	vmov s15;
	v11 =	vmov s16  }
0x21f: {  	v6 =	vshll.u32 v6, $0x3;
	v8 =	vshll.u32 v8, $0x3;
	v4 =	vshll.u32 v4, $0x1  }
0x220: {  	v6 =	vor.u32 v3, v6;
	v5 =	vshll.u32 v5, $0x1;
	v4 =	vand.u32 $0x6, v4  }
0x221: {  	v58 =	vor.u32 v3, v8;
	v5 =	vand.u32 $0x6, v5;
	v4 =	vor.u32 v6, v4  }
0x222: {  	v62 =	vshll.u32 v11, $0x3;
	v7 =	vshll.u32 v7, $0x1;
	v5 =	vor.u32 v58, v5  }
0x223: {  	v61 =	vshll.u32 v9, $0x1;
	v6 =	vshll.u32 v60, $0x3;
	v59 =	vor.u32 $0x1, v4  }
0x224: {  	v7 =	vand.u32 $0x6, v7;
	v10 =	vor.u32 $0x1, v5;
	v6 =	vor.u32 v3, v6  }
0x225: {  	v9 =	vor.u32 v3, v62;
	v6 =	vor.u32 v6, v7;
	v7 =	vand.u32 $0x6, v61  }
0x226: {  	v7 =	vor.u32 v9, v7;
	v4 =	vld.idx.msk [tilespmem:v4+s0+$0x0], $0xffff  }
0x227: {  	v63 =	vor.u32 $0x1, v6;
	v5 =	vld.idx.msk [tilespmem:v5+s0+$0x0], $0xffff  }
0x228: {  	v9 =	vor.u32 $0x1, v7;
	v8 =	vld.idx.msk [tilespmem:v59+s0+$0x0], $0xffff  }
0x229: {  	v10 =	vld.idx.msk [tilespmem:v10+s0+$0x0], $0xffff  }
0x22a: {  	v6 =	vld.idx.msk [tilespmem:v6+s0+$0x0], $0xffff  }
0x22b: {  	v7 =	vld.idx.msk [tilespmem:v7+s0+$0x0], $0xffff;
	[tilespmem:s14+$0x9B00] =	vst v4  }
0x22c: {  	v4 =	vld.idx.msk [tilespmem:v63+s0+$0x0], $0xffff;
	[tilespmem:s14+$0x9B10] =	vst v5  }
0x22d: {  	p3 =	por p0, p0;
	v5 =	vld.idx.msk [tilespmem:v9+s0+$0x0], $0xffff;
	[tilespmem:s14+$0x9B80] =	vst v8  }
.Ltmp24:
0x22e: {  	[tilespmem:s14+$0x9B90] =	vst v10;
	(pc) =	sbr.rel @p3 .LBB2_39-.Ltmp24, $4  }
0x22f: {  	[tilespmem:s14+$0x9B20] =	vst v6  }
0x230: {  	[tilespmem:s14+$0x9B30] =	vst v7  }
0x231: {  	p2 =	por $0x1, $0x1;
	[tilespmem:s14+$0x9BA0] =	vst v4  }
0x232: {  	p0 =	por $0x0, $0x0;
	s15 =	simm.s32 $0x0;
	[tilespmem:s14+$0x9BB0] =	vst v5;
	s14 =	simm.s32 $0x40  }
0x233: {  	p0 =	por $0x1, $0x1;
	s14 =	simm.s32 $0x0  }
.LBB2_41:
0x234: {  	v4 =	vld [tilespmem:s14+$0x7200]  }
0x235: {  	v5 =	vld [tilespmem:s14+$0x7210]  }
0x236: {  	s1 =	sor.u32 $0x200, s14  }
0x237: {  	s16 =	sor.u32 $0x210, s14;
	v7 =	vld [tilespmem:s14+$0x7220];
	s6 =	sor.u32 $0x220, s14;
	v6 =	vmov s1  }
0x238: {  	v9 =	vld [tilespmem:s14+$0x7230];
	v8 =	vmov s16;
	v60 =	vmov s6;
	s16 =	sor.u32 $0x230, s14;
	v6 =	vshll.u32 v6, $0x3  }
0x239: {  	v8 =	vshll.u32 v8, $0x3;
	v11 =	vmov s16;
	v4 =	vshll.u32 v4, $0x1  }
0x23a: {  	v6 =	vor.u32 v3, v6;
	v5 =	vshll.u32 v5, $0x1;
	v4 =	vand.u32 $0x6, v4  }
0x23b: {  	v58 =	vor.u32 v3, v8;
	v5 =	vand.u32 $0x6, v5;
	v4 =	vor.u32 v6, v4  }
0x23c: {  	v62 =	vshll.u32 v11, $0x3;
	v7 =	vshll.u32 v7, $0x1;
	v5 =	vor.u32 v58, v5  }
0x23d: {  	v61 =	vshll.u32 v9, $0x1;
	v6 =	vshll.u32 v60, $0x3;
	v59 =	vor.u32 $0x1, v4  }
0x23e: {  	v7 =	vand.u32 $0x6, v7;
	v10 =	vor.u32 $0x1, v5;
	v6 =	vor.u32 v3, v6  }
0x23f: {  	v9 =	vor.u32 v3, v62;
	v6 =	vor.u32 v6, v7;
	v7 =	vand.u32 $0x6, v61  }
0x240: {  	v7 =	vor.u32 v9, v7;
	v4 =	vld.idx.msk [tilespmem:v4+s0+$0x0], $0xffff  }
0x241: {  	v63 =	vor.u32 $0x1, v6;
	v5 =	vld.idx.msk [tilespmem:v5+s0+$0x0], $0xffff  }
0x242: {  	v9 =	vor.u32 $0x1, v7;
	v8 =	vld.idx.msk [tilespmem:v59+s0+$0x0], $0xffff  }
0x243: {  	v10 =	vld.idx.msk [tilespmem:v10+s0+$0x0], $0xffff  }
0x244: {  	v6 =	vld.idx.msk [tilespmem:v6+s0+$0x0], $0xffff  }
0x245: {  	v7 =	vld.idx.msk [tilespmem:v7+s0+$0x0], $0xffff;
	[tilespmem:s14+$0x9C00] =	vst v4  }
0x246: {  	v4 =	vld.idx.msk [tilespmem:v63+s0+$0x0], $0xffff;
	[tilespmem:s14+$0x9C10] =	vst v5  }
0x247: {  	p3 =	por p0, p0;
	v5 =	vld.idx.msk [tilespmem:v9+s0+$0x0], $0xffff;
	[tilespmem:s14+$0x9C80] =	vst v8  }
.Ltmp25:
0x248: {  	[tilespmem:s14+$0x9C90] =	vst v10;
	(pc) =	sbr.rel @p3 .LBB2_41-.Ltmp25, $4  }
0x249: {  	[tilespmem:s14+$0x9C20] =	vst v6  }
0x24a: {  	[tilespmem:s14+$0x9C30] =	vst v7  }
0x24b: {  	[tilespmem:s14+$0x9CA0] =	vst v4  }
0x24c: {  	p0 =	por $0x0, $0x0;
	[tilespmem:s14+$0x9CB0] =	vst v5;
	s14 =	simm.s32 $0x40  }
.LBB2_42:
0x24d: {  	v4 =	vld [tilespmem:s15+$0x7280]  }
0x24e: {  	v5 =	vld [tilespmem:s15+$0x7290]  }
0x24f: {  	s1 =	sor.u32 $0x280, s15  }
0x250: {  	s6 =	sor.u32 $0x290, s15;
	v7 =	vld [tilespmem:s15+$0x72A0];
	s14 =	sor.u32 $0x2A0, s15;
	s16 =	sor.u32 $0x2B0, s15;
	v6 =	vmov s1  }
0x251: {  	v9 =	vld [tilespmem:s15+$0x72B0];
	v8 =	vmov s6;
	v60 =	vmov s14;
	v11 =	vmov s16  }
0x252: {  	v6 =	vshll.u32 v6, $0x3;
	v8 =	vshll.u32 v8, $0x3;
	v4 =	vshll.u32 v4, $0x1  }
0x253: {  	v6 =	vor.u32 v3, v6;
	v5 =	vshll.u32 v5, $0x1;
	v4 =	vand.u32 $0x6, v4  }
0x254: {  	v58 =	vor.u32 v3, v8;
	v5 =	vand.u32 $0x6, v5;
	v4 =	vor.u32 v6, v4  }
0x255: {  	v62 =	vshll.u32 v11, $0x3;
	v7 =	vshll.u32 v7, $0x1;
	v5 =	vor.u32 v58, v5  }
0x256: {  	v61 =	vshll.u32 v9, $0x1;
	v6 =	vshll.u32 v60, $0x3;
	v59 =	vor.u32 $0x1, v4  }
0x257: {  	v7 =	vand.u32 $0x6, v7;
	v10 =	vor.u32 $0x1, v5;
	v6 =	vor.u32 v3, v6  }
0x258: {  	v9 =	vor.u32 v3, v62;
	v6 =	vor.u32 v6, v7;
	v7 =	vand.u32 $0x6, v61  }
0x259: {  	v7 =	vor.u32 v9, v7;
	v4 =	vld.idx.msk [tilespmem:v4+s0+$0x0], $0xffff  }
0x25a: {  	v63 =	vor.u32 $0x1, v6;
	v5 =	vld.idx.msk [tilespmem:v5+s0+$0x0], $0xffff  }
0x25b: {  	v9 =	vor.u32 $0x1, v7;
	v8 =	vld.idx.msk [tilespmem:v59+s0+$0x0], $0xffff  }
0x25c: {  	v10 =	vld.idx.msk [tilespmem:v10+s0+$0x0], $0xffff  }
0x25d: {  	v6 =	vld.idx.msk [tilespmem:v6+s0+$0x0], $0xffff  }
0x25e: {  	v7 =	vld.idx.msk [tilespmem:v7+s0+$0x0], $0xffff;
	[tilespmem:s15+$0x9D00] =	vst v4  }
0x25f: {  	v4 =	vld.idx.msk [tilespmem:v63+s0+$0x0], $0xffff;
	[tilespmem:s15+$0x9D10] =	vst v5  }
0x260: {  	p3 =	por p2, p2;
	v5 =	vld.idx.msk [tilespmem:v9+s0+$0x0], $0xffff;
	[tilespmem:s15+$0x9D80] =	vst v8  }
.Ltmp26:
0x261: {  	[tilespmem:s15+$0x9D90] =	vst v10;
	(pc) =	sbr.rel @p3 .LBB2_42-.Ltmp26, $4  }
0x262: {  	[tilespmem:s15+$0x9D20] =	vst v6  }
0x263: {  	[tilespmem:s15+$0x9D30] =	vst v7  }
0x264: {  	p0 =	por $0x1, $0x1;
	[tilespmem:s15+$0x9DA0] =	vst v4  }
0x265: {  	p2 =	por $0x0, $0x0;
	s14 =	simm.s32 $0x0;
	[tilespmem:s15+$0x9DB0] =	vst v5;
	s15 =	simm.s32 $0x40  }
0x266: {  	p2 =	por $0x1, $0x1;
	s15 =	simm.s32 $0x0  }
.LBB2_44:
0x267: {  	v4 =	vld [tilespmem:s15+$0x7300]  }
0x268: {  	v5 =	vld [tilespmem:s15+$0x7310]  }
0x269: {  	s1 =	sor.u32 $0x300, s15  }
0x26a: {  	s16 =	sor.u32 $0x310, s15;
	v7 =	vld [tilespmem:s15+$0x7320];
	s6 =	sor.u32 $0x320, s15;
	v6 =	vmov s1  }
0x26b: {  	v9 =	vld [tilespmem:s15+$0x7330];
	v8 =	vmov s16;
	v60 =	vmov s6;
	s16 =	sor.u32 $0x330, s15;
	v6 =	vshll.u32 v6, $0x3  }
0x26c: {  	v8 =	vshll.u32 v8, $0x3;
	v11 =	vmov s16;
	v4 =	vshll.u32 v4, $0x1  }
0x26d: {  	v6 =	vor.u32 v3, v6;
	v5 =	vshll.u32 v5, $0x1;
	v4 =	vand.u32 $0x6, v4  }
0x26e: {  	v58 =	vor.u32 v3, v8;
	v5 =	vand.u32 $0x6, v5;
	v4 =	vor.u32 v6, v4  }
0x26f: {  	v62 =	vshll.u32 v11, $0x3;
	v7 =	vshll.u32 v7, $0x1;
	v5 =	vor.u32 v58, v5  }
0x270: {  	v61 =	vshll.u32 v9, $0x1;
	v6 =	vshll.u32 v60, $0x3;
	v59 =	vor.u32 $0x1, v4  }
0x271: {  	v7 =	vand.u32 $0x6, v7;
	v10 =	vor.u32 $0x1, v5;
	v6 =	vor.u32 v3, v6  }
0x272: {  	v9 =	vor.u32 v3, v62;
	v6 =	vor.u32 v6, v7;
	v7 =	vand.u32 $0x6, v61  }
0x273: {  	v7 =	vor.u32 v9, v7;
	v4 =	vld.idx.msk [tilespmem:v4+s0+$0x0], $0xffff  }
0x274: {  	v63 =	vor.u32 $0x1, v6;
	v5 =	vld.idx.msk [tilespmem:v5+s0+$0x0], $0xffff  }
0x275: {  	v9 =	vor.u32 $0x1, v7;
	v8 =	vld.idx.msk [tilespmem:v59+s0+$0x0], $0xffff  }
0x276: {  	v10 =	vld.idx.msk [tilespmem:v10+s0+$0x0], $0xffff  }
0x277: {  	v6 =	vld.idx.msk [tilespmem:v6+s0+$0x0], $0xffff  }
0x278: {  	v7 =	vld.idx.msk [tilespmem:v7+s0+$0x0], $0xffff;
	[tilespmem:s15+$0x9E00] =	vst v4  }
0x279: {  	v4 =	vld.idx.msk [tilespmem:v63+s0+$0x0], $0xffff;
	[tilespmem:s15+$0x9E10] =	vst v5  }
0x27a: {  	p3 =	por p2, p2;
	v5 =	vld.idx.msk [tilespmem:v9+s0+$0x0], $0xffff;
	[tilespmem:s15+$0x9E80] =	vst v8  }
.Ltmp27:
0x27b: {  	[tilespmem:s15+$0x9E90] =	vst v10;
	(pc) =	sbr.rel @p3 .LBB2_44-.Ltmp27, $4  }
0x27c: {  	[tilespmem:s15+$0x9E20] =	vst v6  }
0x27d: {  	[tilespmem:s15+$0x9E30] =	vst v7  }
0x27e: {  	[tilespmem:s15+$0x9EA0] =	vst v4  }
0x27f: {  	p2 =	por $0x0, $0x0;
	[tilespmem:s15+$0x9EB0] =	vst v5;
	s15 =	simm.s32 $0x40  }
.LBB2_45:
0x280: {  	v4 =	vld [tilespmem:s14+$0x7380]  }
0x281: {  	v5 =	vld [tilespmem:s14+$0x7390]  }
0x282: {  	s1 =	sor.u32 $0x380, s14  }
0x283: {  	s6 =	sor.u32 $0x390, s14;
	v7 =	vld [tilespmem:s14+$0x73A0];
	s15 =	sor.u32 $0x3A0, s14;
	s16 =	sor.u32 $0x3B0, s14;
	v6 =	vmov s1  }
0x284: {  	v9 =	vld [tilespmem:s14+$0x73B0];
	v8 =	vmov s6;
	v60 =	vmov s15;
	v11 =	vmov s16  }
0x285: {  	v6 =	vshll.u32 v6, $0x3;
	v8 =	vshll.u32 v8, $0x3;
	v4 =	vshll.u32 v4, $0x1  }
0x286: {  	v6 =	vor.u32 v3, v6;
	v5 =	vshll.u32 v5, $0x1;
	v4 =	vand.u32 $0x6, v4  }
0x287: {  	v58 =	vor.u32 v3, v8;
	v5 =	vand.u32 $0x6, v5;
	v4 =	vor.u32 v6, v4  }
0x288: {  	v62 =	vshll.u32 v11, $0x3;
	v7 =	vshll.u32 v7, $0x1;
	v5 =	vor.u32 v58, v5  }
0x289: {  	v61 =	vshll.u32 v9, $0x1;
	v6 =	vshll.u32 v60, $0x3;
	v59 =	vor.u32 $0x1, v4  }
0x28a: {  	v7 =	vand.u32 $0x6, v7;
	v10 =	vor.u32 $0x1, v5;
	v6 =	vor.u32 v3, v6  }
0x28b: {  	v9 =	vor.u32 v3, v62;
	v6 =	vor.u32 v6, v7;
	v7 =	vand.u32 $0x6, v61  }
0x28c: {  	v7 =	vor.u32 v9, v7;
	v4 =	vld.idx.msk [tilespmem:v4+s0+$0x0], $0xffff  }
0x28d: {  	v63 =	vor.u32 $0x1, v6;
	v5 =	vld.idx.msk [tilespmem:v5+s0+$0x0], $0xffff  }
0x28e: {  	v9 =	vor.u32 $0x1, v7;
	v8 =	vld.idx.msk [tilespmem:v59+s0+$0x0], $0xffff  }
0x28f: {  	v10 =	vld.idx.msk [tilespmem:v10+s0+$0x0], $0xffff  }
0x290: {  	v6 =	vld.idx.msk [tilespmem:v6+s0+$0x0], $0xffff  }
0x291: {  	v7 =	vld.idx.msk [tilespmem:v7+s0+$0x0], $0xffff;
	[tilespmem:s14+$0x9F00] =	vst v4  }
0x292: {  	v4 =	vld.idx.msk [tilespmem:v63+s0+$0x0], $0xffff;
	[tilespmem:s14+$0x9F10] =	vst v5  }
0x293: {  	p2 =	por p0, p0;
	v5 =	vld.idx.msk [tilespmem:v9+s0+$0x0], $0xffff;
	[tilespmem:s14+$0x9F80] =	vst v8  }
.Ltmp28:
0x294: {  	[tilespmem:s14+$0x9F90] =	vst v10;
	(pc) =	sbr.rel @p2 .LBB2_45-.Ltmp28, $4  }
0x295: {  	[tilespmem:s14+$0x9F20] =	vst v6  }
0x296: {  	[tilespmem:s14+$0x9F30] =	vst v7  }
0x297: {  	[tilespmem:s14+$0x9FA0] =	vst v4  }
0x298: {  	p0 =	por $0x0, $0x0;
	[tilespmem:s14+$0x9FB0] =	vst v5;
	s14 =	simm.s32 $0x40  }
.Ltmp29:
0x299: {  	(pc) =	sbr.rel @p1 .LBB2_50-.Ltmp29, $1  }
0x29a: {  	_ =	sdelay $0x3  }
0x29b: {  	s1 =	sshll.u32 s24, $0x7  }
0x29c: {  	s6 =	simm.s32 $0x7000;
	s1 =	sadd.s32 s1, s12  }
0x29d: {  	[tilespmem:s6], [sflag:$0x9] =	stream.linear.gather [hbm4b:s1+s4], $0x400, $0x38;
	[tilespmem:$0xA000] =	vst v63  }
0x29e: {  	_ =	swait.ge [sflag:s25], $0x400  }
0x29f: {  	[sflag:s25] =	ssyncset.done $0x0  }
0x2a0: {  	s24 =	simm.s32 $0x7020;
	[sflag:s25] =	ssyncadd.s32 $0xFFFFFC00  }
0x2a1: {  	v4 =	vld [tilespmem:s24+$0xFFFFFFE0]  }
0x2a2: {  	v6 =	vld [tilespmem:s24+$0x0]  }
0x2a3: {  	v5 =	vld [tilespmem:s24+$0x10]  }
0x2a4: {  	v7 =	vld [tilespmem:s24+$0xFFFFFFF0];
	_ =	sdelay $0x1  }
0x2a5: {  	s14 =	simm.s32 $0x7420;
	s15 =	simm.s32 $0x7060;
	v8 =	vshrl.u32 v4, $0x2  }
0x2a6: {  	v4 =	vld [tilespmem:s15+$0xFFFFFFE0];
	v9 =	vshrl.u32 v6, $0x2;
	[tilespmem:s14+$0xFFFFFFE0] =	vst v8  }
0x2a7: {  	v6 =	vld [tilespmem:s15+$0x0];
	v8 =	vshrl.u32 v5, $0x2;
	[tilespmem:s14+$0x0] =	vst v9  }
0x2a8: {  	s16 =	simm.s32 $0x4;
	v7 =	vshrl.u32 v7, $0x2;
	v5 =	vld [tilespmem:s15+$0x10];
	[tilespmem:s14+$0x10] =	vst v8  }
.LBB2_48:
0x2a9: {  	s16 =	sadd.s32 $0x4, s16  }
0x2aa: {  	v8 =	vld [tilespmem:s15+$0xFFFFFFF0];
	[tilespmem:s14+$0xFFFFFFF0] =	vst v7;
	s14 =	sadd.s32 $0x40, s14;
	p0 =	slt.u32 s16, $0x3C  }
.Ltmp30:
0x2ab: {  	(pc) =	sbr.rel @p0 .LBB2_48-.Ltmp30, $4  }
0x2ac: {  	s15 =	sadd.s32 $0x40, s15;
	v7 =	vshrl.u32 v4, $0x2  }
0x2ad: {  	v4 =	vld [tilespmem:s15+$0xFFFFFFE0];
	[tilespmem:s14+$0xFFFFFFE0] =	vst v7;
	v7 =	vshrl.u32 v5, $0x2  }
0x2ae: {  	v5 =	vld [tilespmem:s15+$0x10];
	v9 =	vshrl.u32 v6, $0x2;
	[tilespmem:s14+$0x10] =	vst v7  }
0x2af: {  	v6 =	vld [tilespmem:s15+$0x0];
	v7 =	vshrl.u32 v8, $0x2;
	[tilespmem:s14+$0x0] =	vst v9  }
0x2b0: {  	v8 =	vld [tilespmem:s15+$0xFFFFFFF0];
	_ =	sdelay $0x1  }
0x2b1: {  	[tilespmem:s14+$0xFFFFFFF0] =	vst v7;
	s1 =	sadd.s32 $0x40, s14;
	v4 =	vshrl.u32 v4, $0x2  }
.Ltmp31:
0x2b2: {  	[tilespmem:s1+$0xFFFFFFE0] =	vst v4;
	v4 =	vshrl.u32 v5, $0x2;
	(pc) =	sbr.rel .LBB2_50-.Ltmp31, $4  }
0x2b3: {  	v5 =	vshrl.u32 v6, $0x2;
	[tilespmem:s1+$0x10] =	vst v4  }
0x2b4: {  	v4 =	vshrl.u32 v8, $0x2;
	[tilespmem:s1+$0x0] =	vst v5  }
0x2b5: {  	s24 =	simm.s32 $0x7400;
	[tilespmem:s1+$0xFFFFFFF0] =	vst v4  }
0x2b6: {  	[tilespmem:s0], [sflag:$0x7] =	stream.indirect.gather [hbm4b:s2+s23], $0x8, s24, s23, $0xb8;
	[tilespmem:$0xA000] =	vst v63  }
.LBB2_52:
0x2b7: {  	_ =	sfence.sel $0x180000  }
0x2b8: {  	[bflag:$0x0] =	sbarrier.arrive $0xFFFF  }
0x2b9: {  	_ =	strace $0x90000047  }
0x2ba: {  	s0 =	stileid.u32;
	[bflag:$0x2] =	sbarrier.arrive $0xFFFF  }
0x2bb: {  	p0 =	sne.s32 s0, $0x0;
	s0 =	rddreg [dreg:$0x4]  }
0x2bc: {  	s0 =	sadd.s32 @!p0 $0x100000, s0  }
0x2bd: {  	[sflag:s0] =	ssyncadd.tile.s32 @!p0 $0x1;
	_ =	shalt  }
.Lfunc_end2:
_tile_overlayer_lowered:
.L_overlay_start_2:
0x2be: {  	(tag) =	ssettag $0x2  }
0x2bf: {  	s0 =	rddreg [dreg:$0x0];
	s2 =	stileid.u32  }
0x2c0: {  	s1 =	rddreg [dreg:$0x1];
	p0 =	sne.s32 s2, $0x0  }
0x2c1: {  	s3 =	rddreg [dreg:$0x2];
	[bflag:$0x3] =	sbarrier.arrive $0xFFFF;
	s2 =	simm.s32 @!p0 $0x1C09  }
0x2c2: {  	[timem:s3], [sflag:s2] =	dma.local @!p0 [hbm:s0], s1  }
0x2c3: {  	s0 =	simm.s32 @!p0 $0x9  }
0x2c4: {  	_ =	swait.ge @!p0 [sflag:s0], s1  }
0x2c5: {  	s1 =	ssub.s32 @!p0 $0x0, s1;
	[sflag:s0] =	ssyncset.done @!p0 $0x0  }
0x2c6: {  	[sflag:s0] =	ssyncadd.s32 @!p0 s1  }
0x2c7: {  	[bflag:$0x3] =	sbarrier.arrive $0xFFFF  }
0x2c8: {  	_ =	shalt  }

</sc_bundles>
